<compile_context>
chip_gen: v7x
topology: tpu7x:2x2x1
jax: 0.10.2.dev20260603
libtpu: 0.0.44.dev20260713+nightly
codegen_flags: <defaults>
</compile_context>

<pallas_src>
import functools

import jax
import jax.numpy as jnp
from jax import lax
from jax.experimental import pallas as pl
from jax.experimental.pallas import tpu as pltpu
from jax.experimental.pallas import tpu_sc as plsc

NUM_SEG = 100000
N_CHILD = 100000
E_TOT = 6400000

NC = 2
NS = 16
NW = NC * NS
PW = E_TOT // NW
WIN = 5000
NWIN = PW // WIN
HSPL = 1200

NUM_PAD = 100096
ZCH = NUM_PAD // NS
CH_PAD = 100096


def _sc_partials(child_val, indices, segment_ids):
    mesh = plsc.VectorSubcoreMesh(core_axis_name="c", subcore_axis_name="s")

    @functools.partial(
        pl.kernel,
        mesh=mesh,
        out_type=jax.ShapeDtypeStruct((NC, NUM_PAD), jnp.float32),
        scratch_types=[
            pltpu.VMEM((WIN,), jnp.int32),
            pltpu.VMEM((WIN,), jnp.int32),
            pltpu.VMEM((WIN,), jnp.int32),
            pltpu.VMEM((WIN,), jnp.int32),
            pltpu.VMEM((WIN,), jnp.float32),
            pltpu.VMEM((WIN,), jnp.float32),
            pltpu.VMEM_SHARED((NUM_PAD,), jnp.float32),
            pltpu.VMEM_SHARED((CH_PAD,), jnp.float32),
            pltpu.SemaphoreType.DMA,
            pltpu.SemaphoreType.DMA,
            pltpu.SemaphoreType.DMA,
            pltpu.SemaphoreType.DMA,
            pltpu.SemaphoreType.DMA,
            pltpu.SemaphoreType.DMA,
        ],
    )
    def k(child_hbm, idx_hbm, seg_hbm, out_hbm, idx_v0, idx_v1, seg_v0,
          seg_v1, val_v0, val_v1, acc_sh, child_sh, sem0, sem1, semg,
          semh, semc0, semc1):
        z_v = val_v0.at[pl.ds(0, ZCH)]
        c = lax.axis_index("c")
        s = lax.axis_index("s")
        wid = s * NC + c

        def zbody(i, carry):
            z_v[pl.ds(i * 16, 16)] = jnp.zeros((16,), jnp.float32)
            return carry

        lax.fori_loop(0, ZCH // 16, zbody, 0)
        pltpu.sync_copy(z_v, acc_sh.at[pl.ds(s * ZCH, ZCH)])
        pltpu.sync_copy(child_hbm.at[pl.ds(s * ZCH, ZCH)], z_v)
        pltpu.sync_copy(z_v, child_sh.at[pl.ds(s * ZCH, ZCH)])
        plsc.subcore_barrier()

        base = wid * PW
        slots = ((idx_v0, seg_v0, val_v0, sem0, semc0),
                 (idx_v1, seg_v1, val_v1, sem1, semc1))

        def start_loads(w, slot):
            idx_v, seg_v, _, sem, _ = slots[slot]
            off = base + w * WIN
            pltpu.make_async_copy(idx_hbm.at[pl.ds(off, WIN)], idx_v,
                                  sem).start()
            pltpu.make_async_copy(seg_hbm.at[pl.ds(off, WIN)], seg_v,
                                  sem).start()

        def wait_loads(w, slot):
            idx_v, seg_v, _, sem, _ = slots[slot]
            off = base + w * WIN
            pltpu.make_async_copy(idx_hbm.at[pl.ds(off, WIN)], idx_v,
                                  sem).wait()
            pltpu.make_async_copy(seg_hbm.at[pl.ds(off, WIN)], seg_v,
                                  sem).wait()

        def wait_scatter(slot):
            _, seg_v, val_v, _, semc = slots[slot]
            pltpu.make_async_copy(val_v, acc_sh.at[seg_v], semc).wait()

        def gather_win(slot):
            idx_v, _, val_v, _, _ = slots[slot]
            c1 = pltpu.async_copy(
                child_hbm.at[idx_v.at[pl.ds(0, HSPL)]],
                val_v.at[pl.ds(0, HSPL)], semh)
            c2 = pltpu.async_copy(
                child_sh.at[idx_v.at[pl.ds(HSPL, WIN - HSPL)]],
                val_v.at[pl.ds(HSPL, WIN - HSPL)], semg)
            c1.wait()
            c2.wait()

        def start_scatter(slot):
            _, seg_v, val_v, _, semc = slots[slot]
            pltpu.async_copy(val_v, acc_sh.at[seg_v], semc, add=True)

        start_loads(0, 0)
        wait_loads(0, 0)
        gather_win(0)
        start_scatter(0)
        start_loads(1, 1)
        wait_loads(1, 1)
        gather_win(1)
        wait_scatter(0)
        start_scatter(1)
        start_loads(2, 0)

        def pipe(j, carry):
            w0 = 2 * j + 2
            wait_loads(w0, 0)
            gather_win(0)
            wait_scatter(1)
            start_scatter(0)
            start_loads(w0 + 1, 1)
            wait_loads(w0 + 1, 1)
            gather_win(1)
            wait_scatter(0)
            start_scatter(1)

            @pl.when(w0 + 2 < NWIN)
            def _():
                start_loads(w0 + 2, 0)

            return carry

        lax.fori_loop(0, NWIN // 2 - 1, pipe, 0)
        wait_scatter(1)
        plsc.subcore_barrier()

        @pl.when(s == 0)
        def _():
            pltpu.sync_copy(acc_sh, out_hbm.at[c])

    return k(child_val, indices, segment_ids)


def _combine(partials):
    def body(p_ref, o_ref):
        o_ref[...] = p_ref[0:1, :] + p_ref[1:2, :]

    return pl.pallas_call(
        body,
        out_shape=jax.ShapeDtypeStruct((1, NUM_PAD), jnp.float32),
    )(partials)


@jax.jit
def kernel(child_val, indices, segment_ids):
    idx = indices.astype(jnp.int32)
    seg = segment_ids.astype(jnp.int32)
    child_pad = jnp.zeros((CH_PAD,), jnp.float32).at[:N_CHILD].set(child_val)
    partials = _sc_partials(child_pad, idx, seg)
    return _combine(partials)[:, :NUM_SEG]

# --- scband reference (transcript-rebuilt; emitter-appended) ---
"""Pipeline reference for scband-sparse-product-nodes-27608049779346 (READ-ONLY COPY).

The authoritative reference and input builder live on the scoring server;
editing this copy changes nothing except your own understanding.
"""

import jax, jax.numpy as jnp
import numpy as np

NUM = 100000  # number of product nodes (init num)
N_CHILD = 100000  # size of child node value vector
E = 6400000  # total sparse connections across all product nodes


def setup_inputs(seed: int = 0) -> dict:
    key = jax.random.key(seed)
    k1, k2, k3 = jax.random.split(key, 3)
    child_val = jax.random.normal(k1, (N_CHILD,), dtype=jnp.float32)
    indices = jax.random.randint(k2, (E,), 0, N_CHILD, dtype=jnp.int64)
    segment_ids = jnp.sort(jax.random.randint(k3, (E,), 0, NUM, dtype=jnp.int64))
    return {"child_val": child_val, "indices": indices, "segment_ids": segment_ids}


def reference(child_val, indices, segment_ids):
    # SparseProductNodes.forward: for each product node i, gather the child
    # values at connections[i] and sum them into val[0, i].
    # Flattened form: gather child_val at all connection indices, then
    # segment-sum by owning product node.
    gathered = jnp.take(child_val, indices, axis=0)  # [E]
    sums = jax.ops.segment_sum(gathered, segment_ids, num_segments=NUM)  # [NUM]
    val = sums[None, :]  # [batch=1, num], matching val[0, i] writes
    return val

if __name__ == "__main__":
    import jax
    _d = setup_inputs()
    print(jax.jit(kernel)(*tuple(_d.values())))

</pallas_src>

<mosaic_0001>
#map = affine_map<(d0, d1) -> (0)>
#map1 = affine_map<(d0, d1) -> (0, 0)>
module attributes {stable_mosaic.version = 14 : i64} {
  func.func @k(%arg0: i32, %arg1: i32, %arg2: memref<100096xf32, #tpu.memory_space<hbm>>, %arg3: memref<6400000xi32, #tpu.memory_space<hbm>>, %arg4: memref<6400000xi32, #tpu.memory_space<hbm>>, %arg5: memref<2x100096xf32, #tpu.memory_space<hbm>>, %arg6: memref<5000xi32, #tpu.memory_space<vmem>>, %arg7: memref<5000xi32, #tpu.memory_space<vmem>>, %arg8: memref<5000xi32, #tpu.memory_space<vmem>>, %arg9: memref<5000xi32, #tpu.memory_space<vmem>>, %arg10: memref<5000xf32, #tpu.memory_space<vmem>>, %arg11: memref<5000xf32, #tpu.memory_space<vmem>>, %arg12: memref<100096xf32, #tpu.memory_space<vmem_shared>>, %arg13: memref<100096xf32, #tpu.memory_space<vmem_shared>>, %arg14: memref<!tpu.dma_semaphore, #tpu.memory_space<semaphore_mem>>, %arg15: memref<!tpu.dma_semaphore, #tpu.memory_space<semaphore_mem>>, %arg16: memref<!tpu.dma_semaphore, #tpu.memory_space<semaphore_mem>>, %arg17: memref<!tpu.dma_semaphore, #tpu.memory_space<semaphore_mem>>, %arg18: memref<!tpu.dma_semaphore, #tpu.memory_space<semaphore_mem>>, %arg19: memref<!tpu.dma_semaphore, #tpu.memory_space<semaphore_mem>>) attributes {dimension_semantics = [#tpu.dimension_semantics<core_parallel>, #tpu.dimension_semantics<subcore_parallel>], iteration_bounds = array<i64: 2, 16>, scalar_prefetch = 0 : i64, scratch_operands = 14 : i64, tpu.core_type = #tpu.core_type<sc_vector_subcore>, window_params = [{transform_indices = #map}, {transform_indices = #map}, {transform_indices = #map}, {transform_indices = #map1}]} {
    %mul3A = arith.constant 2 : i32
    %mul3A_0 = arith.muli %arg1, %mul3A : i32
    %add3A = arith.addi %mul3A_0, %arg0 : i32
    %scan3A = arith.constant 0 : i32
    %scan3A_1 = arith.constant 0 : i32
    %scan3A_2 = arith.constant 391 : i32
    %scan3A_3 = arith.addi %scan3A_1, %scan3A_2 : i32
    %scan3A_4 = arith.constant 1 : i32
    scf.for %scan3A_107 = %scan3A_1 to %scan3A_3 step %scan3A_4  : i32 {
      %broadcast_in_dim3A = arith.constant 0.000000e+00 : f32
      %broadcast_in_dim3A_108 = vector.broadcast %broadcast_in_dim3A : f32 to vector<16xf32>
      %mul3A_109 = arith.constant 16 : i32
      %mul3A_110 = arith.muli %scan3A_107, %mul3A_109 : i32
      %swap3A = arith.constant 0 : i32
      %swap3A_111 = tpu.memref_slice %arg10[%swap3A] : memref<5000xf32, #tpu.memory_space<vmem>> -> memref<6256xf32, #tpu.memory_space<vmem>>
      %swap3A_112 = arith.index_cast %mul3A_110 : i32 to index
      %swap3A_113 = tpu.vector_load %swap3A_111[%swap3A_112] {strides = array<i32>} : memref<6256xf32, #tpu.memory_space<vmem>>, vector<16xf32>,
      %swap3A_114 = vector.shape_cast %swap3A_113 : vector<16xf32> to vector<16xf32>
      %swap3A_115 = vector.shape_cast %broadcast_in_dim3A_108 : vector<16xf32> to vector<16xf32>
      tpu.vector_store %swap3A_111[%swap3A_112], %swap3A_115 {strides = array<i32>} : memref<6256xf32, #tpu.memory_space<vmem>>, vector<16xf32>,
    }
    %scan3A_5 = arith.constant 391 : i32
    %mul3A_6 = arith.constant 6256 : i32
    %mul3A_7 = arith.muli %arg1, %mul3A_6 : i32
    "tpu.region"() ({
      %run_scoped3A = tpu.sem_alloc : memref<!tpu.dma_semaphore, #tpu.memory_space<semaphore_mem>>
      %dma_start3A_107 = arith.constant 0 : i32
      %dma_start3A_108 = tpu.memref_slice %arg10[%dma_start3A_107] : memref<5000xf32, #tpu.memory_space<vmem>> -> memref<6256xf32, #tpu.memory_space<vmem>>
      %dma_start3A_109 = tpu.memref_slice %arg12[%mul3A_7] : memref<100096xf32, #tpu.memory_space<vmem_shared>> -> memref<6256xf32, #tpu.memory_space<vmem_shared>>
      %dma_start3A_110 = tpu.memref_slice %arg12[%mul3A_7] : memref<100096xf32, #tpu.memory_space<vmem_shared>> -> memref<6256xf32, #tpu.memory_space<vmem_shared>>
      %dma_start3A_111 = arith.constant 0 : i32
      %dma_start3A_112 = tpu.memref_slice %arg10[%dma_start3A_111] : memref<5000xf32, #tpu.memory_space<vmem>> -> memref<6256xf32, #tpu.memory_space<vmem>>
      tpu.enqueue_dma source(%dma_start3A_112 : memref<6256xf32, #tpu.memory_space<vmem>>) target(%dma_start3A_110 : memref<6256xf32, #tpu.memory_space<vmem_shared>>) target_semaphore(%run_scoped3A : memref<!tpu.dma_semaphore, #tpu.memory_space<semaphore_mem>>)
      %dma_wait3A_113 = arith.constant 0 : i32
      %dma_wait3A_114 = tpu.memref_slice %arg10[%dma_wait3A_113] : memref<5000xf32, #tpu.memory_space<vmem>> -> memref<6256xf32, #tpu.memory_space<vmem>>
      %dma_wait3A_115 = tpu.memref_slice %arg12[%mul3A_7] : memref<100096xf32, #tpu.memory_space<vmem_shared>> -> memref<6256xf32, #tpu.memory_space<vmem_shared>>
      %dma_wait3A_116 = tpu.memref_slice %arg12[%mul3A_7] : memref<100096xf32, #tpu.memory_space<vmem_shared>> -> memref<6256xf32, #tpu.memory_space<vmem_shared>>
      %dma_wait3A_117 = arith.constant 0 : i32
      %dma_wait3A_118 = tpu.memref_slice %arg10[%dma_wait3A_117] : memref<5000xf32, #tpu.memory_space<vmem>> -> memref<6256xf32, #tpu.memory_space<vmem>>
      tpu.wait_dma2 semaphore(%run_scoped3A : memref<!tpu.dma_semaphore, #tpu.memory_space<semaphore_mem>>) src(%dma_wait3A_118 : memref<6256xf32, #tpu.memory_space<vmem>>) dst(%dma_wait3A_116 : memref<6256xf32, #tpu.memory_space<vmem_shared>>)
      tpu.yield
    }) : () -> ()
    %mul3A_8 = arith.constant 6256 : i32
    %mul3A_9 = arith.muli %arg1, %mul3A_8 : i32
    "tpu.region"() ({
      %run_scoped3A = tpu.sem_alloc : memref<!tpu.dma_semaphore, #tpu.memory_space<semaphore_mem>>
      %dma_start3A_107 = arith.constant 0 : i32
      %dma_start3A_108 = tpu.memref_slice %arg10[%dma_start3A_107] : memref<5000xf32, #tpu.memory_space<vmem>> -> memref<6256xf32, #tpu.memory_space<vmem>>
      %dma_start3A_109 = tpu.memref_slice %arg2[%mul3A_9] : memref<100096xf32, #tpu.memory_space<hbm>> -> memref<6256xf32, #tpu.memory_space<hbm>>
      %dma_start3A_110 = arith.constant 0 : i32
      %dma_start3A_111 = tpu.memref_slice %arg10[%dma_start3A_110] : memref<5000xf32, #tpu.memory_space<vmem>> -> memref<6256xf32, #tpu.memory_space<vmem>>
      %dma_start3A_112 = tpu.memref_slice %arg2[%mul3A_9] : memref<100096xf32, #tpu.memory_space<hbm>> -> memref<6256xf32, #tpu.memory_space<hbm>>
      tpu.enqueue_dma source(%dma_start3A_112 : memref<6256xf32, #tpu.memory_space<hbm>>) target(%dma_start3A_111 : memref<6256xf32, #tpu.memory_space<vmem>>) target_semaphore(%run_scoped3A : memref<!tpu.dma_semaphore, #tpu.memory_space<semaphore_mem>>)
      %dma_wait3A_113 = arith.constant 0 : i32
      %dma_wait3A_114 = tpu.memref_slice %arg10[%dma_wait3A_113] : memref<5000xf32, #tpu.memory_space<vmem>> -> memref<6256xf32, #tpu.memory_space<vmem>>
      %dma_wait3A_115 = tpu.memref_slice %arg2[%mul3A_9] : memref<100096xf32, #tpu.memory_space<hbm>> -> memref<6256xf32, #tpu.memory_space<hbm>>
      %dma_wait3A_116 = arith.constant 0 : i32
      %dma_wait3A_117 = tpu.memref_slice %arg10[%dma_wait3A_116] : memref<5000xf32, #tpu.memory_space<vmem>> -> memref<6256xf32, #tpu.memory_space<vmem>>
      %dma_wait3A_118 = tpu.memref_slice %arg2[%mul3A_9] : memref<100096xf32, #tpu.memory_space<hbm>> -> memref<6256xf32, #tpu.memory_space<hbm>>
      tpu.wait_dma2 semaphore(%run_scoped3A : memref<!tpu.dma_semaphore, #tpu.memory_space<semaphore_mem>>) src(%dma_wait3A_118 : memref<6256xf32, #tpu.memory_space<hbm>>) dst(%dma_wait3A_117 : memref<6256xf32, #tpu.memory_space<vmem>>)
      tpu.yield
    }) : () -> ()
    %mul3A_10 = arith.constant 6256 : i32
    %mul3A_11 = arith.muli %arg1, %mul3A_10 : i32
    "tpu.region"() ({
      %run_scoped3A = tpu.sem_alloc : memref<!tpu.dma_semaphore, #tpu.memory_space<semaphore_mem>>
      %dma_start3A_107 = arith.constant 0 : i32
      %dma_start3A_108 = tpu.memref_slice %arg10[%dma_start3A_107] : memref<5000xf32, #tpu.memory_space<vmem>> -> memref<6256xf32, #tpu.memory_space<vmem>>
      %dma_start3A_109 = tpu.memref_slice %arg13[%mul3A_11] : memref<100096xf32, #tpu.memory_space<vmem_shared>> -> memref<6256xf32, #tpu.memory_space<vmem_shared>>
      %dma_start3A_110 = tpu.memref_slice %arg13[%mul3A_11] : memref<100096xf32, #tpu.memory_space<vmem_shared>> -> memref<6256xf32, #tpu.memory_space<vmem_shared>>
      %dma_start3A_111 = arith.constant 0 : i32
      %dma_start3A_112 = tpu.memref_slice %arg10[%dma_start3A_111] : memref<5000xf32, #tpu.memory_space<vmem>> -> memref<6256xf32, #tpu.memory_space<vmem>>
      tpu.enqueue_dma source(%dma_start3A_112 : memref<6256xf32, #tpu.memory_space<vmem>>) target(%dma_start3A_110 : memref<6256xf32, #tpu.memory_space<vmem_shared>>) target_semaphore(%run_scoped3A : memref<!tpu.dma_semaphore, #tpu.memory_space<semaphore_mem>>)
      %dma_wait3A_113 = arith.constant 0 : i32
      %dma_wait3A_114 = tpu.memref_slice %arg10[%dma_wait3A_113] : memref<5000xf32, #tpu.memory_space<vmem>> -> memref<6256xf32, #tpu.memory_space<vmem>>
      %dma_wait3A_115 = tpu.memref_slice %arg13[%mul3A_11] : memref<100096xf32, #tpu.memory_space<vmem_shared>> -> memref<6256xf32, #tpu.memory_space<vmem_shared>>
      %dma_wait3A_116 = tpu.memref_slice %arg13[%mul3A_11] : memref<100096xf32, #tpu.memory_space<vmem_shared>> -> memref<6256xf32, #tpu.memory_space<vmem_shared>>
      %dma_wait3A_117 = arith.constant 0 : i32
      %dma_wait3A_118 = tpu.memref_slice %arg10[%dma_wait3A_117] : memref<5000xf32, #tpu.memory_space<vmem>> -> memref<6256xf32, #tpu.memory_space<vmem>>
      tpu.wait_dma2 semaphore(%run_scoped3A : memref<!tpu.dma_semaphore, #tpu.memory_space<semaphore_mem>>) src(%dma_wait3A_118 : memref<6256xf32, #tpu.memory_space<vmem>>) dst(%dma_wait3A_116 : memref<6256xf32, #tpu.memory_space<vmem_shared>>)
      tpu.yield
    }) : () -> ()
    %barrier3A = arith.constant 0 : index
    tpu.barrier barrier_id(%barrier3A)
    %mul3A_12 = arith.constant 200000 : i32
    %mul3A_13 = arith.muli %add3A, %mul3A_12 : i32
    %add3A_14 = arith.constant 0 : i32
    %add3A_15 = arith.addi %mul3A_13, %add3A_14 : i32
    %dma_start3A = tpu.memref_slice %arg3[%add3A_15] : memref<6400000xi32, #tpu.memory_space<hbm>> -> memref<5000xi32, #tpu.memory_space<hbm>>
    %dma_start3A_16 = tpu.memref_slice %arg3[%add3A_15] : memref<6400000xi32, #tpu.memory_space<hbm>> -> memref<5000xi32, #tpu.memory_space<hbm>>
    tpu.enqueue_dma source(%dma_start3A_16 : memref<5000xi32, #tpu.memory_space<hbm>>) target(%arg6 : memref<5000xi32, #tpu.memory_space<vmem>>) target_semaphore(%arg14 : memref<!tpu.dma_semaphore, #tpu.memory_space<semaphore_mem>>)
    %dma_start3A_17 = tpu.memref_slice %arg4[%add3A_15] : memref<6400000xi32, #tpu.memory_space<hbm>> -> memref<5000xi32, #tpu.memory_space<hbm>>
    %dma_start3A_18 = tpu.memref_slice %arg4[%add3A_15] : memref<6400000xi32, #tpu.memory_space<hbm>> -> memref<5000xi32, #tpu.memory_space<hbm>>
    tpu.enqueue_dma source(%dma_start3A_18 : memref<5000xi32, #tpu.memory_space<hbm>>) target(%arg8 : memref<5000xi32, #tpu.memory_space<vmem>>) target_semaphore(%arg14 : memref<!tpu.dma_semaphore, #tpu.memory_space<semaphore_mem>>)
    %add3A_19 = arith.constant 0 : i32
    %add3A_20 = arith.addi %mul3A_13, %add3A_19 : i32
    %dma_wait3A = tpu.memref_slice %arg3[%add3A_20] : memref<6400000xi32, #tpu.memory_space<hbm>> -> memref<5000xi32, #tpu.memory_space<hbm>>
    %dma_wait3A_21 = tpu.memref_slice %arg3[%add3A_20] : memref<6400000xi32, #tpu.memory_space<hbm>> -> memref<5000xi32, #tpu.memory_space<hbm>>
    tpu.wait_dma2 semaphore(%arg14 : memref<!tpu.dma_semaphore, #tpu.memory_space<semaphore_mem>>) src(%dma_wait3A_21 : memref<5000xi32, #tpu.memory_space<hbm>>) dst(%arg6 : memref<5000xi32, #tpu.memory_space<vmem>>)
    %dma_wait3A_22 = tpu.memref_slice %arg4[%add3A_20] : memref<6400000xi32, #tpu.memory_space<hbm>> -> memref<5000xi32, #tpu.memory_space<hbm>>
    %dma_wait3A_23 = tpu.memref_slice %arg4[%add3A_20] : memref<6400000xi32, #tpu.memory_space<hbm>> -> memref<5000xi32, #tpu.memory_space<hbm>>
    tpu.wait_dma2 semaphore(%arg14 : memref<!tpu.dma_semaphore, #tpu.memory_space<semaphore_mem>>) src(%dma_wait3A_23 : memref<5000xi32, #tpu.memory_space<hbm>>) dst(%arg8 : memref<5000xi32, #tpu.memory_space<vmem>>)
    %dma_start3A_24 = arith.constant 0 : i32
    %dma_start3A_25 = tpu.memref_slice %arg10[%dma_start3A_24] : memref<5000xf32, #tpu.memory_space<vmem>> -> memref<1200xf32, #tpu.memory_space<vmem>>
    %dma_start3A_26 = arith.constant 0 : i32
    %dma_start3A_27 = tpu.memref_slice %arg6[%dma_start3A_26] : memref<5000xi32, #tpu.memory_space<vmem>> -> memref<1200xi32, #tpu.memory_space<vmem>>
    %dma_start3A_28 = arith.constant 0 : i32
    %dma_start3A_29 = tpu.memref_slice %arg2[%dma_start3A_28] : memref<100096xf32, #tpu.memory_space<hbm>> -> memref<100096xf32, #tpu.memory_space<hbm>>
    tpu.enqueue_indirect_dma source(%dma_start3A_29 : memref<100096xf32, #tpu.memory_space<hbm>>) target(%dma_start3A_25 : memref<1200xf32, #tpu.memory_space<vmem>>) offsets(%dma_start3A_27 : memref<1200xi32, #tpu.memory_space<vmem>>) semaphore(%arg17 : memref<!tpu.dma_semaphore, #tpu.memory_space<semaphore_mem>>)
    %dma_start3A_30 = arith.constant 1200 : i32
    %dma_start3A_31 = tpu.memref_slice %arg10[%dma_start3A_30] : memref<5000xf32, #tpu.memory_space<vmem>> -> memref<3800xf32, #tpu.memory_space<vmem>>
    %dma_start3A_32 = arith.constant 1200 : i32
    %dma_start3A_33 = tpu.memref_slice %arg6[%dma_start3A_32] : memref<5000xi32, #tpu.memory_space<vmem>> -> memref<3800xi32, #tpu.memory_space<vmem>>
    %dma_start3A_34 = arith.constant 0 : i32
    %dma_start3A_35 = tpu.memref_slice %arg13[%dma_start3A_34] : memref<100096xf32, #tpu.memory_space<vmem_shared>> -> memref<100096xf32, #tpu.memory_space<vmem_shared>>
    tpu.enqueue_indirect_dma source(%dma_start3A_35 : memref<100096xf32, #tpu.memory_space<vmem_shared>>) target(%dma_start3A_31 : memref<3800xf32, #tpu.memory_space<vmem>>) offsets(%dma_start3A_33 : memref<3800xi32, #tpu.memory_space<vmem>>) semaphore(%arg16 : memref<!tpu.dma_semaphore, #tpu.memory_space<semaphore_mem>>)
    %dma_wait3A_36 = arith.constant 0 : i32
    %dma_wait3A_37 = tpu.memref_slice %arg10[%dma_wait3A_36] : memref<5000xf32, #tpu.memory_space<vmem>> -> memref<1200xf32, #tpu.memory_space<vmem>>
    %dma_wait3A_38 = arith.constant 0 : i32
    %dma_wait3A_39 = tpu.memref_slice %arg6[%dma_wait3A_38] : memref<5000xi32, #tpu.memory_space<vmem>> -> memref<1200xi32, #tpu.memory_space<vmem>>
    %dma_wait3A_40 = arith.constant 0 : i32
    %dma_wait3A_41 = tpu.memref_slice %arg2[%dma_wait3A_40] : memref<100096xf32, #tpu.memory_space<hbm>> -> memref<100096xf32, #tpu.memory_space<hbm>>
    tpu.wait_indirect_dma semaphore(%arg17 : memref<!tpu.dma_semaphore, #tpu.memory_space<semaphore_mem>>) src(%dma_wait3A_41 : memref<100096xf32, #tpu.memory_space<hbm>>) dst(%dma_wait3A_37 : memref<1200xf32, #tpu.memory_space<vmem>>)
    %dma_wait3A_42 = arith.constant 1200 : i32
    %dma_wait3A_43 = tpu.memref_slice %arg10[%dma_wait3A_42] : memref<5000xf32, #tpu.memory_space<vmem>> -> memref<3800xf32, #tpu.memory_space<vmem>>
    %dma_wait3A_44 = arith.constant 1200 : i32
    %dma_wait3A_45 = tpu.memref_slice %arg6[%dma_wait3A_44] : memref<5000xi32, #tpu.memory_space<vmem>> -> memref<3800xi32, #tpu.memory_space<vmem>>
    %dma_wait3A_46 = arith.constant 0 : i32
    %dma_wait3A_47 = tpu.memref_slice %arg13[%dma_wait3A_46] : memref<100096xf32, #tpu.memory_space<vmem_shared>> -> memref<100096xf32, #tpu.memory_space<vmem_shared>>
    tpu.wait_indirect_dma semaphore(%arg16 : memref<!tpu.dma_semaphore, #tpu.memory_space<semaphore_mem>>) src(%dma_wait3A_47 : memref<100096xf32, #tpu.memory_space<vmem_shared>>) dst(%dma_wait3A_43 : memref<3800xf32, #tpu.memory_space<vmem>>)
    %dma_start3A_48 = arith.constant 0 : i32
    %dma_start3A_49 = tpu.memref_slice %arg12[%dma_start3A_48] : memref<100096xf32, #tpu.memory_space<vmem_shared>> -> memref<100096xf32, #tpu.memory_space<vmem_shared>>
    tpu.enqueue_indirect_dma source(%arg10 : memref<5000xf32, #tpu.memory_space<vmem>>) target(%dma_start3A_49 : memref<100096xf32, #tpu.memory_space<vmem_shared>>) offsets(%arg8 : memref<5000xi32, #tpu.memory_space<vmem>>) semaphore(%arg18 : memref<!tpu.dma_semaphore, #tpu.memory_space<semaphore_mem>>) {add = true}
    %add3A_50 = arith.constant 5000 : i32
    %add3A_51 = arith.addi %mul3A_13, %add3A_50 : i32
    %dma_start3A_52 = tpu.memref_slice %arg3[%add3A_51] : memref<6400000xi32, #tpu.memory_space<hbm>> -> memref<5000xi32, #tpu.memory_space<hbm>>
    %dma_start3A_53 = tpu.memref_slice %arg3[%add3A_51] : memref<6400000xi32, #tpu.memory_space<hbm>> -> memref<5000xi32, #tpu.memory_space<hbm>>
    tpu.enqueue_dma source(%dma_start3A_53 : memref<5000xi32, #tpu.memory_space<hbm>>) target(%arg7 : memref<5000xi32, #tpu.memory_space<vmem>>) target_semaphore(%arg15 : memref<!tpu.dma_semaphore, #tpu.memory_space<semaphore_mem>>)
    %dma_start3A_54 = tpu.memref_slice %arg4[%add3A_51] : memref<6400000xi32, #tpu.memory_space<hbm>> -> memref<5000xi32, #tpu.memory_space<hbm>>
    %dma_start3A_55 = tpu.memref_slice %arg4[%add3A_51] : memref<6400000xi32, #tpu.memory_space<hbm>> -> memref<5000xi32, #tpu.memory_space<hbm>>
    tpu.enqueue_dma source(%dma_start3A_55 : memref<5000xi32, #tpu.memory_space<hbm>>) target(%arg9 : memref<5000xi32, #tpu.memory_space<vmem>>) target_semaphore(%arg15 : memref<!tpu.dma_semaphore, #tpu.memory_space<semaphore_mem>>)
    %add3A_56 = arith.constant 5000 : i32
    %add3A_57 = arith.addi %mul3A_13, %add3A_56 : i32
    %dma_wait3A_58 = tpu.memref_slice %arg3[%add3A_57] : memref<6400000xi32, #tpu.memory_space<hbm>> -> memref<5000xi32, #tpu.memory_space<hbm>>
    %dma_wait3A_59 = tpu.memref_slice %arg3[%add3A_57] : memref<6400000xi32, #tpu.memory_space<hbm>> -> memref<5000xi32, #tpu.memory_space<hbm>>
    tpu.wait_dma2 semaphore(%arg15 : memref<!tpu.dma_semaphore, #tpu.memory_space<semaphore_mem>>) src(%dma_wait3A_59 : memref<5000xi32, #tpu.memory_space<hbm>>) dst(%arg7 : memref<5000xi32, #tpu.memory_space<vmem>>)
    %dma_wait3A_60 = tpu.memref_slice %arg4[%add3A_57] : memref<6400000xi32, #tpu.memory_space<hbm>> -> memref<5000xi32, #tpu.memory_space<hbm>>
    %dma_wait3A_61 = tpu.memref_slice %arg4[%add3A_57] : memref<6400000xi32, #tpu.memory_space<hbm>> -> memref<5000xi32, #tpu.memory_space<hbm>>
    tpu.wait_dma2 semaphore(%arg15 : memref<!tpu.dma_semaphore, #tpu.memory_space<semaphore_mem>>) src(%dma_wait3A_61 : memref<5000xi32, #tpu.memory_space<hbm>>) dst(%arg9 : memref<5000xi32, #tpu.memory_space<vmem>>)
    %dma_start3A_62 = arith.constant 0 : i32
    %dma_start3A_63 = tpu.memref_slice %arg11[%dma_start3A_62] : memref<5000xf32, #tpu.memory_space<vmem>> -> memref<1200xf32, #tpu.memory_space<vmem>>
    %dma_start3A_64 = arith.constant 0 : i32
    %dma_start3A_65 = tpu.memref_slice %arg7[%dma_start3A_64] : memref<5000xi32, #tpu.memory_space<vmem>> -> memref<1200xi32, #tpu.memory_space<vmem>>
    %dma_start3A_66 = arith.constant 0 : i32
    %dma_start3A_67 = tpu.memref_slice %arg2[%dma_start3A_66] : memref<100096xf32, #tpu.memory_space<hbm>> -> memref<100096xf32, #tpu.memory_space<hbm>>
    tpu.enqueue_indirect_dma source(%dma_start3A_67 : memref<100096xf32, #tpu.memory_space<hbm>>) target(%dma_start3A_63 : memref<1200xf32, #tpu.memory_space<vmem>>) offsets(%dma_start3A_65 : memref<1200xi32, #tpu.memory_space<vmem>>) semaphore(%arg17 : memref<!tpu.dma_semaphore, #tpu.memory_space<semaphore_mem>>)
    %dma_start3A_68 = arith.constant 1200 : i32
    %dma_start3A_69 = tpu.memref_slice %arg11[%dma_start3A_68] : memref<5000xf32, #tpu.memory_space<vmem>> -> memref<3800xf32, #tpu.memory_space<vmem>>
    %dma_start3A_70 = arith.constant 1200 : i32
    %dma_start3A_71 = tpu.memref_slice %arg7[%dma_start3A_70] : memref<5000xi32, #tpu.memory_space<vmem>> -> memref<3800xi32, #tpu.memory_space<vmem>>
    %dma_start3A_72 = arith.constant 0 : i32
    %dma_start3A_73 = tpu.memref_slice %arg13[%dma_start3A_72] : memref<100096xf32, #tpu.memory_space<vmem_shared>> -> memref<100096xf32, #tpu.memory_space<vmem_shared>>
    tpu.enqueue_indirect_dma source(%dma_start3A_73 : memref<100096xf32, #tpu.memory_space<vmem_shared>>) target(%dma_start3A_69 : memref<3800xf32, #tpu.memory_space<vmem>>) offsets(%dma_start3A_71 : memref<3800xi32, #tpu.memory_space<vmem>>) semaphore(%arg16 : memref<!tpu.dma_semaphore, #tpu.memory_space<semaphore_mem>>)
    %dma_wait3A_74 = arith.constant 0 : i32
    %dma_wait3A_75 = tpu.memref_slice %arg11[%dma_wait3A_74] : memref<5000xf32, #tpu.memory_space<vmem>> -> memref<1200xf32, #tpu.memory_space<vmem>>
    %dma_wait3A_76 = arith.constant 0 : i32
    %dma_wait3A_77 = tpu.memref_slice %arg7[%dma_wait3A_76] : memref<5000xi32, #tpu.memory_space<vmem>> -> memref<1200xi32, #tpu.memory_space<vmem>>
    %dma_wait3A_78 = arith.constant 0 : i32
    %dma_wait3A_79 = tpu.memref_slice %arg2[%dma_wait3A_78] : memref<100096xf32, #tpu.memory_space<hbm>> -> memref<100096xf32, #tpu.memory_space<hbm>>
    tpu.wait_indirect_dma semaphore(%arg17 : memref<!tpu.dma_semaphore, #tpu.memory_space<semaphore_mem>>) src(%dma_wait3A_79 : memref<100096xf32, #tpu.memory_space<hbm>>) dst(%dma_wait3A_75 : memref<1200xf32, #tpu.memory_space<vmem>>)
    %dma_wait3A_80 = arith.constant 1200 : i32
    %dma_wait3A_81 = tpu.memref_slice %arg11[%dma_wait3A_80] : memref<5000xf32, #tpu.memory_space<vmem>> -> memref<3800xf32, #tpu.memory_space<vmem>>
    %dma_wait3A_82 = arith.constant 1200 : i32
    %dma_wait3A_83 = tpu.memref_slice %arg7[%dma_wait3A_82] : memref<5000xi32, #tpu.memory_space<vmem>> -> memref<3800xi32, #tpu.memory_space<vmem>>
    %dma_wait3A_84 = arith.constant 0 : i32
    %dma_wait3A_85 = tpu.memref_slice %arg13[%dma_wait3A_84] : memref<100096xf32, #tpu.memory_space<vmem_shared>> -> memref<100096xf32, #tpu.memory_space<vmem_shared>>
    tpu.wait_indirect_dma semaphore(%arg16 : memref<!tpu.dma_semaphore, #tpu.memory_space<semaphore_mem>>) src(%dma_wait3A_85 : memref<100096xf32, #tpu.memory_space<vmem_shared>>) dst(%dma_wait3A_81 : memref<3800xf32, #tpu.memory_space<vmem>>)
    %dma_wait3A_86 = arith.constant 0 : i32
    %dma_wait3A_87 = tpu.memref_slice %arg12[%dma_wait3A_86] : memref<100096xf32, #tpu.memory_space<vmem_shared>> -> memref<100096xf32, #tpu.memory_space<vmem_shared>>
    tpu.wait_indirect_dma semaphore(%arg18 : memref<!tpu.dma_semaphore, #tpu.memory_space<semaphore_mem>>) src(%arg10 : memref<5000xf32, #tpu.memory_space<vmem>>) dst(%dma_wait3A_87 : memref<100096xf32, #tpu.memory_space<vmem_shared>>)
    %dma_start3A_88 = arith.constant 0 : i32
    %dma_start3A_89 = tpu.memref_slice %arg12[%dma_start3A_88] : memref<100096xf32, #tpu.memory_space<vmem_shared>> -> memref<100096xf32, #tpu.memory_space<vmem_shared>>
    tpu.enqueue_indirect_dma source(%arg11 : memref<5000xf32, #tpu.memory_space<vmem>>) target(%dma_start3A_89 : memref<100096xf32, #tpu.memory_space<vmem_shared>>) offsets(%arg9 : memref<5000xi32, #tpu.memory_space<vmem>>) semaphore(%arg19 : memref<!tpu.dma_semaphore, #tpu.memory_space<semaphore_mem>>) {add = true}
    %add3A_90 = arith.constant 10000 : i32
    %add3A_91 = arith.addi %mul3A_13, %add3A_90 : i32
    %dma_start3A_92 = tpu.memref_slice %arg3[%add3A_91] : memref<6400000xi32, #tpu.memory_space<hbm>> -> memref<5000xi32, #tpu.memory_space<hbm>>
    %dma_start3A_93 = tpu.memref_slice %arg3[%add3A_91] : memref<6400000xi32, #tpu.memory_space<hbm>> -> memref<5000xi32, #tpu.memory_space<hbm>>
    tpu.enqueue_dma source(%dma_start3A_93 : memref<5000xi32, #tpu.memory_space<hbm>>) target(%arg6 : memref<5000xi32, #tpu.memory_space<vmem>>) target_semaphore(%arg14 : memref<!tpu.dma_semaphore, #tpu.memory_space<semaphore_mem>>)
    %dma_start3A_94 = tpu.memref_slice %arg4[%add3A_91] : memref<6400000xi32, #tpu.memory_space<hbm>> -> memref<5000xi32, #tpu.memory_space<hbm>>
    %dma_start3A_95 = tpu.memref_slice %arg4[%add3A_91] : memref<6400000xi32, #tpu.memory_space<hbm>> -> memref<5000xi32, #tpu.memory_space<hbm>>
    tpu.enqueue_dma source(%dma_start3A_95 : memref<5000xi32, #tpu.memory_space<hbm>>) target(%arg8 : memref<5000xi32, #tpu.memory_space<vmem>>) target_semaphore(%arg14 : memref<!tpu.dma_semaphore, #tpu.memory_space<semaphore_mem>>)
    %scan3A_96 = arith.constant 0 : i32
    %scan3A_97 = arith.constant 0 : i32
    %scan3A_98 = arith.constant 19 : i32
    %scan3A_99 = arith.addi %scan3A_97, %scan3A_98 : i32
    %scan3A_100 = arith.constant 1 : i32
    scf.for %scan3A_107 = %scan3A_97 to %scan3A_99 step %scan3A_100  : i32 {
      %mul3A_108 = arith.constant 2 : i32
      %mul3A_109 = arith.muli %mul3A_108, %scan3A_107 : i32
      %add3A_110 = arith.constant 2 : i32
      %add3A_111 = arith.addi %mul3A_109, %add3A_110 : i32
      %mul3A_112 = arith.constant 5000 : i32
      %mul3A_113 = arith.muli %add3A_111, %mul3A_112 : i32
      %add3A_114 = arith.addi %mul3A_13, %mul3A_113 : i32
      %dma_wait3A_115 = tpu.memref_slice %arg3[%add3A_114] : memref<6400000xi32, #tpu.memory_space<hbm>> -> memref<5000xi32, #tpu.memory_space<hbm>>
      %dma_wait3A_116 = tpu.memref_slice %arg3[%add3A_114] : memref<6400000xi32, #tpu.memory_space<hbm>> -> memref<5000xi32, #tpu.memory_space<hbm>>
      tpu.wait_dma2 semaphore(%arg14 : memref<!tpu.dma_semaphore, #tpu.memory_space<semaphore_mem>>) src(%dma_wait3A_116 : memref<5000xi32, #tpu.memory_space<hbm>>) dst(%arg6 : memref<5000xi32, #tpu.memory_space<vmem>>)
      %dma_wait3A_117 = tpu.memref_slice %arg4[%add3A_114] : memref<6400000xi32, #tpu.memory_space<hbm>> -> memref<5000xi32, #tpu.memory_space<hbm>>
      %dma_wait3A_118 = tpu.memref_slice %arg4[%add3A_114] : memref<6400000xi32, #tpu.memory_space<hbm>> -> memref<5000xi32, #tpu.memory_space<hbm>>
      tpu.wait_dma2 semaphore(%arg14 : memref<!tpu.dma_semaphore, #tpu.memory_space<semaphore_mem>>) src(%dma_wait3A_118 : memref<5000xi32, #tpu.memory_space<hbm>>) dst(%arg8 : memref<5000xi32, #tpu.memory_space<vmem>>)
      %dma_start3A_119 = arith.constant 0 : i32
      %dma_start3A_120 = tpu.memref_slice %arg10[%dma_start3A_119] : memref<5000xf32, #tpu.memory_space<vmem>> -> memref<1200xf32, #tpu.memory_space<vmem>>
      %dma_start3A_121 = arith.constant 0 : i32
      %dma_start3A_122 = tpu.memref_slice %arg6[%dma_start3A_121] : memref<5000xi32, #tpu.memory_space<vmem>> -> memref<1200xi32, #tpu.memory_space<vmem>>
      %dma_start3A_123 = arith.constant 0 : i32
      %dma_start3A_124 = tpu.memref_slice %arg2[%dma_start3A_123] : memref<100096xf32, #tpu.memory_space<hbm>> -> memref<100096xf32, #tpu.memory_space<hbm>>
      tpu.enqueue_indirect_dma source(%dma_start3A_124 : memref<100096xf32, #tpu.memory_space<hbm>>) target(%dma_start3A_120 : memref<1200xf32, #tpu.memory_space<vmem>>) offsets(%dma_start3A_122 : memref<1200xi32, #tpu.memory_space<vmem>>) semaphore(%arg17 : memref<!tpu.dma_semaphore, #tpu.memory_space<semaphore_mem>>)
      %dma_start3A_125 = arith.constant 1200 : i32
      %dma_start3A_126 = tpu.memref_slice %arg10[%dma_start3A_125] : memref<5000xf32, #tpu.memory_space<vmem>> -> memref<3800xf32, #tpu.memory_space<vmem>>
      %dma_start3A_127 = arith.constant 1200 : i32
      %dma_start3A_128 = tpu.memref_slice %arg6[%dma_start3A_127] : memref<5000xi32, #tpu.memory_space<vmem>> -> memref<3800xi32, #tpu.memory_space<vmem>>
      %dma_start3A_129 = arith.constant 0 : i32
      %dma_start3A_130 = tpu.memref_slice %arg13[%dma_start3A_129] : memref<100096xf32, #tpu.memory_space<vmem_shared>> -> memref<100096xf32, #tpu.memory_space<vmem_shared>>
      tpu.enqueue_indirect_dma source(%dma_start3A_130 : memref<100096xf32, #tpu.memory_space<vmem_shared>>) target(%dma_start3A_126 : memref<3800xf32, #tpu.memory_space<vmem>>) offsets(%dma_start3A_128 : memref<3800xi32, #tpu.memory_space<vmem>>) semaphore(%arg16 : memref<!tpu.dma_semaphore, #tpu.memory_space<semaphore_mem>>)
      %dma_wait3A_131 = arith.constant 0 : i32
      %dma_wait3A_132 = tpu.memref_slice %arg10[%dma_wait3A_131] : memref<5000xf32, #tpu.memory_space<vmem>> -> memref<1200xf32, #tpu.memory_space<vmem>>
      %dma_wait3A_133 = arith.constant 0 : i32
      %dma_wait3A_134 = tpu.memref_slice %arg6[%dma_wait3A_133] : memref<5000xi32, #tpu.memory_space<vmem>> -> memref<1200xi32, #tpu.memory_space<vmem>>
      %dma_wait3A_135 = arith.constant 0 : i32
      %dma_wait3A_136 = tpu.memref_slice %arg2[%dma_wait3A_135] : memref<100096xf32, #tpu.memory_space<hbm>> -> memref<100096xf32, #tpu.memory_space<hbm>>
      tpu.wait_indirect_dma semaphore(%arg17 : memref<!tpu.dma_semaphore, #tpu.memory_space<semaphore_mem>>) src(%dma_wait3A_136 : memref<100096xf32, #tpu.memory_space<hbm>>) dst(%dma_wait3A_132 : memref<1200xf32, #tpu.memory_space<vmem>>)
      %dma_wait3A_137 = arith.constant 1200 : i32
      %dma_wait3A_138 = tpu.memref_slice %arg10[%dma_wait3A_137] : memref<5000xf32, #tpu.memory_space<vmem>> -> memref<3800xf32, #tpu.memory_space<vmem>>
      %dma_wait3A_139 = arith.constant 1200 : i32
      %dma_wait3A_140 = tpu.memref_slice %arg6[%dma_wait3A_139] : memref<5000xi32, #tpu.memory_space<vmem>> -> memref<3800xi32, #tpu.memory_space<vmem>>
      %dma_wait3A_141 = arith.constant 0 : i32
      %dma_wait3A_142 = tpu.memref_slice %arg13[%dma_wait3A_141] : memref<100096xf32, #tpu.memory_space<vmem_shared>> -> memref<100096xf32, #tpu.memory_space<vmem_shared>>
      tpu.wait_indirect_dma semaphore(%arg16 : memref<!tpu.dma_semaphore, #tpu.memory_space<semaphore_mem>>) src(%dma_wait3A_142 : memref<100096xf32, #tpu.memory_space<vmem_shared>>) dst(%dma_wait3A_138 : memref<3800xf32, #tpu.memory_space<vmem>>)
      %dma_wait3A_143 = arith.constant 0 : i32
      %dma_wait3A_144 = tpu.memref_slice %arg12[%dma_wait3A_143] : memref<100096xf32, #tpu.memory_space<vmem_shared>> -> memref<100096xf32, #tpu.memory_space<vmem_shared>>
      tpu.wait_indirect_dma semaphore(%arg19 : memref<!tpu.dma_semaphore, #tpu.memory_space<semaphore_mem>>) src(%arg11 : memref<5000xf32, #tpu.memory_space<vmem>>) dst(%dma_wait3A_144 : memref<100096xf32, #tpu.memory_space<vmem_shared>>)
      %dma_start3A_145 = arith.constant 0 : i32
      %dma_start3A_146 = tpu.memref_slice %arg12[%dma_start3A_145] : memref<100096xf32, #tpu.memory_space<vmem_shared>> -> memref<100096xf32, #tpu.memory_space<vmem_shared>>
      tpu.enqueue_indirect_dma source(%arg10 : memref<5000xf32, #tpu.memory_space<vmem>>) target(%dma_start3A_146 : memref<100096xf32, #tpu.memory_space<vmem_shared>>) offsets(%arg8 : memref<5000xi32, #tpu.memory_space<vmem>>) semaphore(%arg18 : memref<!tpu.dma_semaphore, #tpu.memory_space<semaphore_mem>>) {add = true}
      %add3A_147 = arith.constant 1 : i32
      %add3A_148 = arith.addi %add3A_111, %add3A_147 : i32
      %mul3A_149 = arith.constant 5000 : i32
      %mul3A_150 = arith.muli %add3A_148, %mul3A_149 : i32
      %add3A_151 = arith.addi %mul3A_13, %mul3A_150 : i32
      %dma_start3A_152 = tpu.memref_slice %arg3[%add3A_151] : memref<6400000xi32, #tpu.memory_space<hbm>> -> memref<5000xi32, #tpu.memory_space<hbm>>
      %dma_start3A_153 = tpu.memref_slice %arg3[%add3A_151] : memref<6400000xi32, #tpu.memory_space<hbm>> -> memref<5000xi32, #tpu.memory_space<hbm>>
      tpu.enqueue_dma source(%dma_start3A_153 : memref<5000xi32, #tpu.memory_space<hbm>>) target(%arg7 : memref<5000xi32, #tpu.memory_space<vmem>>) target_semaphore(%arg15 : memref<!tpu.dma_semaphore, #tpu.memory_space<semaphore_mem>>)
      %dma_start3A_154 = tpu.memref_slice %arg4[%add3A_151] : memref<6400000xi32, #tpu.memory_space<hbm>> -> memref<5000xi32, #tpu.memory_space<hbm>>
      %dma_start3A_155 = tpu.memref_slice %arg4[%add3A_151] : memref<6400000xi32, #tpu.memory_space<hbm>> -> memref<5000xi32, #tpu.memory_space<hbm>>
      tpu.enqueue_dma source(%dma_start3A_155 : memref<5000xi32, #tpu.memory_space<hbm>>) target(%arg9 : memref<5000xi32, #tpu.memory_space<vmem>>) target_semaphore(%arg15 : memref<!tpu.dma_semaphore, #tpu.memory_space<semaphore_mem>>)
      %add3A_156 = arith.constant 1 : i32
      %add3A_157 = arith.addi %add3A_111, %add3A_156 : i32
      %mul3A_158 = arith.constant 5000 : i32
      %mul3A_159 = arith.muli %add3A_157, %mul3A_158 : i32
      %add3A_160 = arith.addi %mul3A_13, %mul3A_159 : i32
      %dma_wait3A_161 = tpu.memref_slice %arg3[%add3A_160] : memref<6400000xi32, #tpu.memory_space<hbm>> -> memref<5000xi32, #tpu.memory_space<hbm>>
      %dma_wait3A_162 = tpu.memref_slice %arg3[%add3A_160] : memref<6400000xi32, #tpu.memory_space<hbm>> -> memref<5000xi32, #tpu.memory_space<hbm>>
      tpu.wait_dma2 semaphore(%arg15 : memref<!tpu.dma_semaphore, #tpu.memory_space<semaphore_mem>>) src(%dma_wait3A_162 : memref<5000xi32, #tpu.memory_space<hbm>>) dst(%arg7 : memref<5000xi32, #tpu.memory_space<vmem>>)
      %dma_wait3A_163 = tpu.memref_slice %arg4[%add3A_160] : memref<6400000xi32, #tpu.memory_space<hbm>> -> memref<5000xi32, #tpu.memory_space<hbm>>
      %dma_wait3A_164 = tpu.memref_slice %arg4[%add3A_160] : memref<6400000xi32, #tpu.memory_space<hbm>> -> memref<5000xi32, #tpu.memory_space<hbm>>
      tpu.wait_dma2 semaphore(%arg15 : memref<!tpu.dma_semaphore, #tpu.memory_space<semaphore_mem>>) src(%dma_wait3A_164 : memref<5000xi32, #tpu.memory_space<hbm>>) dst(%arg9 : memref<5000xi32, #tpu.memory_space<vmem>>)
      %dma_start3A_165 = arith.constant 0 : i32
      %dma_start3A_166 = tpu.memref_slice %arg11[%dma_start3A_165] : memref<5000xf32, #tpu.memory_space<vmem>> -> memref<1200xf32, #tpu.memory_space<vmem>>
      %dma_start3A_167 = arith.constant 0 : i32
      %dma_start3A_168 = tpu.memref_slice %arg7[%dma_start3A_167] : memref<5000xi32, #tpu.memory_space<vmem>> -> memref<1200xi32, #tpu.memory_space<vmem>>
      %dma_start3A_169 = arith.constant 0 : i32
      %dma_start3A_170 = tpu.memref_slice %arg2[%dma_start3A_169] : memref<100096xf32, #tpu.memory_space<hbm>> -> memref<100096xf32, #tpu.memory_space<hbm>>
      tpu.enqueue_indirect_dma source(%dma_start3A_170 : memref<100096xf32, #tpu.memory_space<hbm>>) target(%dma_start3A_166 : memref<1200xf32, #tpu.memory_space<vmem>>) offsets(%dma_start3A_168 : memref<1200xi32, #tpu.memory_space<vmem>>) semaphore(%arg17 : memref<!tpu.dma_semaphore, #tpu.memory_space<semaphore_mem>>)
      %dma_start3A_171 = arith.constant 1200 : i32
      %dma_start3A_172 = tpu.memref_slice %arg11[%dma_start3A_171] : memref<5000xf32, #tpu.memory_space<vmem>> -> memref<3800xf32, #tpu.memory_space<vmem>>
      %dma_start3A_173 = arith.constant 1200 : i32
      %dma_start3A_174 = tpu.memref_slice %arg7[%dma_start3A_173] : memref<5000xi32, #tpu.memory_space<vmem>> -> memref<3800xi32, #tpu.memory_space<vmem>>
      %dma_start3A_175 = arith.constant 0 : i32
      %dma_start3A_176 = tpu.memref_slice %arg13[%dma_start3A_175] : memref<100096xf32, #tpu.memory_space<vmem_shared>> -> memref<100096xf32, #tpu.memory_space<vmem_shared>>
      tpu.enqueue_indirect_dma source(%dma_start3A_176 : memref<100096xf32, #tpu.memory_space<vmem_shared>>) target(%dma_start3A_172 : memref<3800xf32, #tpu.memory_space<vmem>>) offsets(%dma_start3A_174 : memref<3800xi32, #tpu.memory_space<vmem>>) semaphore(%arg16 : memref<!tpu.dma_semaphore, #tpu.memory_space<semaphore_mem>>)
      %dma_wait3A_177 = arith.constant 0 : i32
      %dma_wait3A_178 = tpu.memref_slice %arg11[%dma_wait3A_177] : memref<5000xf32, #tpu.memory_space<vmem>> -> memref<1200xf32, #tpu.memory_space<vmem>>
      %dma_wait3A_179 = arith.constant 0 : i32
      %dma_wait3A_180 = tpu.memref_slice %arg7[%dma_wait3A_179] : memref<5000xi32, #tpu.memory_space<vmem>> -> memref<1200xi32, #tpu.memory_space<vmem>>
      %dma_wait3A_181 = arith.constant 0 : i32
      %dma_wait3A_182 = tpu.memref_slice %arg2[%dma_wait3A_181] : memref<100096xf32, #tpu.memory_space<hbm>> -> memref<100096xf32, #tpu.memory_space<hbm>>
      tpu.wait_indirect_dma semaphore(%arg17 : memref<!tpu.dma_semaphore, #tpu.memory_space<semaphore_mem>>) src(%dma_wait3A_182 : memref<100096xf32, #tpu.memory_space<hbm>>) dst(%dma_wait3A_178 : memref<1200xf32, #tpu.memory_space<vmem>>)
      %dma_wait3A_183 = arith.constant 1200 : i32
      %dma_wait3A_184 = tpu.memref_slice %arg11[%dma_wait3A_183] : memref<5000xf32, #tpu.memory_space<vmem>> -> memref<3800xf32, #tpu.memory_space<vmem>>
      %dma_wait3A_185 = arith.constant 1200 : i32
      %dma_wait3A_186 = tpu.memref_slice %arg7[%dma_wait3A_185] : memref<5000xi32, #tpu.memory_space<vmem>> -> memref<3800xi32, #tpu.memory_space<vmem>>
      %dma_wait3A_187 = arith.constant 0 : i32
      %dma_wait3A_188 = tpu.memref_slice %arg13[%dma_wait3A_187] : memref<100096xf32, #tpu.memory_space<vmem_shared>> -> memref<100096xf32, #tpu.memory_space<vmem_shared>>
      tpu.wait_indirect_dma semaphore(%arg16 : memref<!tpu.dma_semaphore, #tpu.memory_space<semaphore_mem>>) src(%dma_wait3A_188 : memref<100096xf32, #tpu.memory_space<vmem_shared>>) dst(%dma_wait3A_184 : memref<3800xf32, #tpu.memory_space<vmem>>)
      %dma_wait3A_189 = arith.constant 0 : i32
      %dma_wait3A_190 = tpu.memref_slice %arg12[%dma_wait3A_189] : memref<100096xf32, #tpu.memory_space<vmem_shared>> -> memref<100096xf32, #tpu.memory_space<vmem_shared>>
      tpu.wait_indirect_dma semaphore(%arg18 : memref<!tpu.dma_semaphore, #tpu.memory_space<semaphore_mem>>) src(%arg10 : memref<5000xf32, #tpu.memory_space<vmem>>) dst(%dma_wait3A_190 : memref<100096xf32, #tpu.memory_space<vmem_shared>>)
      %dma_start3A_191 = arith.constant 0 : i32
      %dma_start3A_192 = tpu.memref_slice %arg12[%dma_start3A_191] : memref<100096xf32, #tpu.memory_space<vmem_shared>> -> memref<100096xf32, #tpu.memory_space<vmem_shared>>
      tpu.enqueue_indirect_dma source(%arg11 : memref<5000xf32, #tpu.memory_space<vmem>>) target(%dma_start3A_192 : memref<100096xf32, #tpu.memory_space<vmem_shared>>) offsets(%arg9 : memref<5000xi32, #tpu.memory_space<vmem>>) semaphore(%arg19 : memref<!tpu.dma_semaphore, #tpu.memory_space<semaphore_mem>>) {add = true}
      %add3A_193 = arith.constant 2 : i32
      %add3A_194 = arith.addi %add3A_111, %add3A_193 : i32
      %lt3A = arith.constant 40 : i32
      %lt3A_195 = arith.cmpi slt, %add3A_194, %lt3A : i32
      %convert_element_type3A_196 = arith.extui %lt3A_195 : i1 to i32
      %cond3A_197 = arith.constant 0 : i32
      %cond3A_198 = arith.cmpi ne, %convert_element_type3A_196, %cond3A_197 : i32
      scf.if %cond3A_198 {
        %add3A_199 = arith.constant 2 : i32
        %add3A_200 = arith.addi %add3A_111, %add3A_199 : i32
        %mul3A_201 = arith.constant 5000 : i32
        %mul3A_202 = arith.muli %add3A_200, %mul3A_201 : i32
        %add3A_203 = arith.addi %mul3A_13, %mul3A_202 : i32
        %dma_start3A_204 = tpu.memref_slice %arg3[%add3A_203] : memref<6400000xi32, #tpu.memory_space<hbm>> -> memref<5000xi32, #tpu.memory_space<hbm>>
        %dma_start3A_205 = tpu.memref_slice %arg3[%add3A_203] : memref<6400000xi32, #tpu.memory_space<hbm>> -> memref<5000xi32, #tpu.memory_space<hbm>>
        tpu.enqueue_dma source(%dma_start3A_205 : memref<5000xi32, #tpu.memory_space<hbm>>) target(%arg6 : memref<5000xi32, #tpu.memory_space<vmem>>) target_semaphore(%arg14 : memref<!tpu.dma_semaphore, #tpu.memory_space<semaphore_mem>>)
        %dma_start3A_206 = tpu.memref_slice %arg4[%add3A_203] : memref<6400000xi32, #tpu.memory_space<hbm>> -> memref<5000xi32, #tpu.memory_space<hbm>>
        %dma_start3A_207 = tpu.memref_slice %arg4[%add3A_203] : memref<6400000xi32, #tpu.memory_space<hbm>> -> memref<5000xi32, #tpu.memory_space<hbm>>
        tpu.enqueue_dma source(%dma_start3A_207 : memref<5000xi32, #tpu.memory_space<hbm>>) target(%arg8 : memref<5000xi32, #tpu.memory_space<vmem>>) target_semaphore(%arg14 : memref<!tpu.dma_semaphore, #tpu.memory_space<semaphore_mem>>)
      } else {
      }
    }
    %scan3A_101 = arith.constant 19 : i32
    %dma_wait3A_102 = arith.constant 0 : i32
    %dma_wait3A_103 = tpu.memref_slice %arg12[%dma_wait3A_102] : memref<100096xf32, #tpu.memory_space<vmem_shared>> -> memref<100096xf32, #tpu.memory_space<vmem_shared>>
    tpu.wait_indirect_dma semaphore(%arg19 : memref<!tpu.dma_semaphore, #tpu.memory_space<semaphore_mem>>) src(%arg11 : memref<5000xf32, #tpu.memory_space<vmem>>) dst(%dma_wait3A_103 : memref<100096xf32, #tpu.memory_space<vmem_shared>>)
    %barrier3A_104 = arith.constant 0 : index
    tpu.barrier barrier_id(%barrier3A_104)
    %eq3A = arith.constant 0 : i32
    %eq3A_105 = arith.cmpi eq, %arg1, %eq3A : i32
    %convert_element_type3A = arith.extui %eq3A_105 : i1 to i32
    %cond3A = arith.constant 0 : i32
    %cond3A_106 = arith.cmpi ne, %convert_element_type3A, %cond3A : i32
    scf.if %cond3A_106 {
      "tpu.region"() ({
        %run_scoped3A = tpu.sem_alloc : memref<!tpu.dma_semaphore, #tpu.memory_space<semaphore_mem>>
        %dma_start3A_107 = arith.constant 0 : i32
        %dma_start3A_108 = tpu.memref_slice %arg5[%arg0, %dma_start3A_107] : memref<2x100096xf32, #tpu.memory_space<hbm>> -> memref<1x100096xf32, #tpu.memory_space<hbm>>
        %dma_start3A_109 = tpu.memref_squeeze %dma_start3A_108 : memref<1x100096xf32, #tpu.memory_space<hbm>> -> memref<100096xf32, #tpu.memory_space<hbm>>
        tpu.enqueue_dma source(%arg12 : memref<100096xf32, #tpu.memory_space<vmem_shared>>) target(%dma_start3A_109 : memref<100096xf32, #tpu.memory_space<hbm>>) target_semaphore(%run_scoped3A : memref<!tpu.dma_semaphore, #tpu.memory_space<semaphore_mem>>)
        %dma_wait3A_110 = arith.constant 0 : i32
        %dma_wait3A_111 = tpu.memref_slice %arg5[%arg0, %dma_wait3A_110] : memref<2x100096xf32, #tpu.memory_space<hbm>> -> memref<1x100096xf32, #tpu.memory_space<hbm>>
        %dma_wait3A_112 = tpu.memref_squeeze %dma_wait3A_111 : memref<1x100096xf32, #tpu.memory_space<hbm>> -> memref<100096xf32, #tpu.memory_space<hbm>>
        tpu.wait_dma2 semaphore(%run_scoped3A : memref<!tpu.dma_semaphore, #tpu.memory_space<semaphore_mem>>) src(%arg12 : memref<100096xf32, #tpu.memory_space<vmem_shared>>) dst(%dma_wait3A_112 : memref<100096xf32, #tpu.memory_space<hbm>>)
        tpu.yield
      }) : () -> ()
    } else {
    }
    return
  }
}

module attributes {stable_mosaic.version = 14 : i64} {
  func.func @body(%arg0: memref<2x100096xf32, #tpu.memory_space<vmem>>, %arg1: memref<1x100096xf32, #tpu.memory_space<vmem>>) attributes {dimension_semantics = [], scalar_prefetch = 0 : i64, scratch_operands = 0 : i64, tpu.core_type = #tpu.core_type<tc>} {
    %get3A = arith.constant 0 : index
    %get3A_0 = arith.constant 0 : index
    %get3A_1 = vector.load %arg0[%get3A, %get3A_0] : memref<2x100096xf32, #tpu.memory_space<vmem>>, vector<1x100096xf32>
    %get3A_2 = arith.constant 1 : index
    %get3A_3 = arith.constant 0 : index
    %get3A_4 = vector.load %arg0[%get3A_2, %get3A_3] : memref<2x100096xf32, #tpu.memory_space<vmem>>, vector<1x100096xf32>
    %add3A = arith.addf %get3A_1, %get3A_4 : vector<1x100096xf32>
    %swap3A = arith.constant 0 : index
    %swap3A_5 = arith.constant 0 : index
    %swap3A_6 = vector.load %arg1[%swap3A, %swap3A_5] : memref<1x100096xf32, #tpu.memory_space<vmem>>, vector<1x100096xf32>
    tpu.vector_store %arg1[%swap3A, %swap3A_5], %add3A {strides = array<i32>} : memref<1x100096xf32, #tpu.memory_space<vmem>>, vector<1x100096xf32>,
    return
  }
}

</mosaic_0001>

<sc_bundles>
// kernel: kernel.4.cloned.1.call-start
scs
__scs_entry_jumppad:
0x0: {  	(pc) =	sbr.rel $0x88, $3  }
0x1: {  	(tag) =	ssettag $0x0;
	lr =	simm.s32 $0x1  }
0x2: {  	[smem:$0x3F9E] =	sst lr;
	_ =	strace $0xD0000000  }
0x3: {  	_ = 	snop  }
0x4: {  	_ = 	snop  }
0x5: {  	_ = 	snop  }
0x6: {  	_ = 	snop  }
0x7: {  	_ = 	snop  }
__scs_overlays_trampoline_lowered:
0x8: {  	[smem:$0x3FAD] =	sst s0  }
0x9: {  	[smem:$0x3FAE] =	sst s1  }
0xa: {  	[smem:$0x3FAF] =	sst s2  }
0xb: {  	[smem:$0x3FB0] =	sst s3  }
0xc: {  	[smem:$0x3FB1] =	sst s4  }
0xd: {  	[smem:$0x3FB2] =	sst s5  }
0xe: {  	[smem:$0x3FB3] =	sst s6  }
0xf: {  	[smem:$0x3FB4] =	sst s7  }
0x10: {  	[smem:$0x3FB5] =	sst s8  }
0x11: {  	[smem:$0x3FB6] =	sst s9;
	s0 =	simm.s32 @!p0 $0x0  }
0x12: {  	s1 =	sld [smem:$0x3F9C];
	s0 =	simm.s32 @p0 $0x1  }
0x13: {  	[smem:$0x3FB7] =	sst s0;
	s0 =	simm.s32 @!p1 $0x0  }
0x14: {  	s2 =	sld [smem:$0x3F9B];
	s0 =	simm.s32 @p1 $0x1  }
0x15: {  	[smem:$0x3FB8] =	sst s0;
	s0 =	simm.s32 @!p2 $0x0  }
0x16: {  	s3 =	sld [smem:$0x3FDB];
	s0 =	simm.s32 @p2 $0x1  }
0x17: {  	s4 =	simm.s32 $0x1BF5;
	[smem:$0x3FBA] =	sst s0  }
0x18: {  	s0 =	sld [smem:$0x3F9D];
	_ =	swait.ge [sflag:s4], $0x0  }
0x19: {  	s7 =	sld [smem:$0x3F9E]  }
0x1a: {  	s8 =	sadd.s32 $0xFFFFE003, lr  }
0x1b: {  	s9 =	sadd.s32 $0xFFFFFEF7, lr;
	s5 =	simm.s32 $0xFFFFFFFF;
	p2 =	slt.u32 s8, $0xFFFFF086  }
0x1c: {  	p1 =	slt.u32 s9, $0xF7A;
	s5 =	simm.s32 @!p2 $0x0  }
0x1d: {  	s5 =	simm.s32 @p1 $0x1;
	p0 =	seq.s32 s7, s2  }
0x1e: {  	s7 =	smul.u32 @!p0 $0xF7A, s2;
	p2 =	seq.s32 @!p0 s5, $0x0  }
0x1f: {  	s9 =	smul.u32 $0xF7A, s1;
	s8 =	simm.s32 @!p0 $0x1BF5;
	p2 =	por !p2, p0  }
0x20: {  	[sflag:s8] =	ssyncset.s32 @!p0 $0xFFFFF086;
	s6 =	sadd.s32 @!p0 s3, s7;
	s7 =	simm.s32 @!p0 $0x108  }
0x21: {  	s3 =	sadd.s32 s3, s9;
	s6 =	sadd.s32 @!p0 $0x88, s6;
	s7 =	simm.s32 @p2 $0x1082  }
0x22: {  	[simem:s7], [sflag:s8] =	dma.local @!p0 [hbm:s6], $0xF7A  }
0x23: {  	s9 =	sor.u32 $0xD0000000, s2;
	s6 =	simm.s32 $0x108;
	_ =	swait.ge @!p0 [sflag:s8], $0x0  }
0x24: {  	s3 =	sadd.s32 $0x88, s3;
	s6 =	simm.s32 @!p1 $0x1082;
	[sflag:s4] =	ssyncset.s32 $0xFFFFF086  }
0x25: {  	[simem:s6], [sflag:s4] =	dma.local [hbm:s3], $0xF7A  }
0x26: {  	[smem:$0x3F9E] =	sst s1;
	(tag) =	ssettag s2;
	_ =	strace s9  }
0x27: {  	s1 =	sld [smem:$0x3FAE]  }
0x28: {  	s2 =	sld [smem:$0x3FAF]  }
0x29: {  	s4 =	sld [smem:$0x3FB1]  }
0x2a: {  	p0 =	seq.s32 s5, $0x0;
	s5 =	sld [smem:$0x3FB2]  }
0x2b: {  	s6 =	sld [smem:$0x3FB3]  }
0x2c: {  	s7 =	sld [smem:$0x3FB4]  }
0x2d: {  	s3 =	simm.s32 $0x108;
	s8 =	sld [smem:$0x3FB5]  }
0x2e: {  	s3 =	simm.s32 @!p0 $0x1082;
	s9 =	sld [smem:$0x3FB6]  }
0x2f: {  	lr =	sadd.s32 s0, s3;
	s0 =	sld [smem:$0x3FAD]  }
0x30: {  	s3 =	sld [smem:$0x3FB0]  }
0x31: {  	[smem:$0x3FB9] =	sst s10  }
0x32: {  	s10 =	sld [smem:$0x3FB7];
	_ =	sdelay $0x3  }
0x33: {  	p0 =	seq.s32 s10, $0x1;
	s10 =	sld [smem:$0x3FB9];
	_ =	sdelay $0x3  }
0x34: {  	[smem:$0x3FB9] =	sst s10  }
0x35: {  	s10 =	sld [smem:$0x3FB8];
	_ =	sdelay $0x3  }
0x36: {  	p1 =	seq.s32 s10, $0x1;
	s10 =	sld [smem:$0x3FB9];
	_ =	sdelay $0x3  }
0x37: {  	[smem:$0x3FB9] =	sst s10  }
0x38: {  	s10 =	sld [smem:$0x3FBA]  }
0x39: {  	_ = 	snop;
	(pc) =	sbr.ind lr, $3  }
0x3a: {  	_ = 	snop  }
0x3b: {  	_ = 	snop  }
0x3c: {  	p2 =	seq.s32 s10, $0x1;
	s10 =	sld [smem:$0x3FB9]  }
0x3d: {  	_ =	shalt  }
0x3e: {  	_ =	shalt  }
0x3f: {  	_ =	shalt  }
0x40: {  	_ =	shalt  }
0x41: {  	_ =	shalt  }
0x42: {  	_ =	shalt  }
0x43: {  	_ =	shalt  }
0x44: {  	_ =	shalt  }
0x45: {  	_ =	shalt  }
0x46: {  	_ =	shalt  }
0x47: {  	_ =	shalt  }
0x48: {  	_ =	shalt  }
0x49: {  	_ =	shalt  }
0x4a: {  	_ =	shalt  }
0x4b: {  	_ =	shalt  }
0x4c: {  	_ =	shalt  }
0x4d: {  	_ =	shalt  }
0x4e: {  	_ =	shalt  }
0x4f: {  	_ =	shalt  }
0x50: {  	_ =	shalt  }
0x51: {  	_ =	shalt  }
0x52: {  	_ =	shalt  }
0x53: {  	_ =	shalt  }
0x54: {  	_ =	shalt  }
0x55: {  	_ =	shalt  }
0x56: {  	_ =	shalt  }
0x57: {  	_ =	shalt  }
0x58: {  	_ =	shalt  }
0x59: {  	_ =	shalt  }
0x5a: {  	_ =	shalt  }
0x5b: {  	_ =	shalt  }
0x5c: {  	_ =	shalt  }
0x5d: {  	_ =	shalt  }
0x5e: {  	_ =	shalt  }
0x5f: {  	_ =	shalt  }
0x60: {  	_ =	shalt  }
0x61: {  	_ =	shalt  }
0x62: {  	_ =	shalt  }
0x63: {  	_ =	shalt  }
0x64: {  	_ =	shalt  }
0x65: {  	_ =	shalt  }
0x66: {  	_ =	shalt  }
0x67: {  	_ =	shalt  }
0x68: {  	_ =	shalt  }
0x69: {  	_ =	shalt  }
0x6a: {  	_ =	shalt  }
0x6b: {  	_ =	shalt  }
0x6c: {  	_ =	shalt  }
0x6d: {  	_ =	shalt  }
0x6e: {  	_ =	shalt  }
0x6f: {  	_ =	shalt  }
0x70: {  	_ =	shalt  }
0x71: {  	_ =	shalt  }
0x72: {  	_ =	shalt  }
0x73: {  	_ =	shalt  }
0x74: {  	_ =	shalt  }
0x75: {  	_ =	shalt  }
0x76: {  	_ =	shalt  }
0x77: {  	_ =	shalt  }
0x78: {  	_ =	shalt  }
0x79: {  	_ =	shalt  }
0x7a: {  	_ =	shalt  }
0x7b: {  	_ =	shalt  }
0x7c: {  	_ =	shalt  }
0x7d: {  	_ =	shalt  }
0x7e: {  	_ =	shalt  }
0x7f: {  	_ =	shalt  }
0x80: {  	_ =	shalt  }
0x81: {  	_ =	shalt  }
0x82: {  	_ =	shalt  }
0x83: {  	_ =	shalt  }
0x84: {  	_ =	shalt  }
0x85: {  	_ =	shalt  }
0x86: {  	_ =	shalt  }
0x87: {  	_ =	shalt  }
.Lfunc_end0:
.L_simem_size_0:
called_computation_lowered:
.L_overlay_start_0:
0x88: {  	s2 =	sld [smem:$0x3FD9]  }
0x89: {  	s3 =	sld [smem:$0x3FFE];
	_ =	sdelay $0x1  }
0x8a: {  	s1 =	srdreg.scid  }
0x8b: {  	s0 =	sand.u32 $0x1, s1  }
0x8c: {  	s17 =	sshll.u32 s0, $0xA;
	s2 =	sadd.s32 s3, s2  }
0x8d: {  	s2 =	sadd.s32 s2, s17  }
0x8e: {  	[smem:$0x3FC5] =	sst s2  }
0x8f: {  	_ = 	snop  }
0x90: {  	s2 =	sld [smem:$0x3FC8]  }
0x91: {  	s18 =	sld [smem:$0x3FC7];
	(tm) =	ssettm $0x1  }
0x92: {  	s4 =	sld [smem:$0x3FFB];
	_ =	sdelay $0x3  }
0x93: {  	_ =	strace s4  }
0x94: {  	s4 =	sld [smem:$0x3FFC];
	_ =	sdelay $0x3  }
0x95: {  	_ =	strace s4  }
0x96: {  	s4 =	sld [smem:$0x3FFD];
	_ =	sdelay $0x3  }
0x97: {  	_ =	strace s4  }
0x98: {  	_ =	strace $0x8FFFFFFF  }
0x99: {  	s19 =	sld [smem:$0x3FDB];
	_ =	sdelay $0x1  }
0x9a: {  	s5 =	simm.s32 $_scs_section_size  }
0x9b: {  	s6 =	simm.s32 $_size__tile_overlayer_lowered;
	s7 =	simm.s32 $_tile_overlayer_lowered  }
0x9c: {  	s22 =	simm.s32 $0x1BFF;
	s21 =	sshll.u32 s7, $0x1;
	s4 =	sadd.s32 s5, s19  }
0x9d: {  	s8 =	simm.s32 $0x0;
	s20 =	sshll.u32 s6, $0x1;
	s6 =	sadd.s32 s21, s4  }
0x9e: {  	[timem:s8], [sflag:s22] =	dma.local [hbm:s6], s20  }
0x9f: {  	_ =	swait.ge [sflag:s22], s20  }
0xa0: {  	s5 =	ssub.s32 $0x0, s20;
	[sflag:s22] =	ssyncset.done $0x0  }
0xa1: {  	[sflag:s22] =	ssyncadd.s32 s5;
	_ =	sdelay $0x1  }
0xa2: {  	s23 =	simm.s32 $0x1B8B  }
0xa3: {  	_ =	swait.ge [sflag:s23], $0x1  }
0xa4: {  	[sflag:s23] =	ssyncset.done $0x0  }
0xa5: {  	s25 =	simm.s32 $0x1B8E;
	s24 =	sld [smem:$0x3FFE];
	[sflag:s23] =	ssyncadd.s32 $0xFFFFFFFF  }
0xa6: {  	s26 =	simm.s32 $execute0_lowered;
	[smem:$0x3FD2] =	sst s25  }
0xa7: {  	s6 =	sshll.u32 s26, $0x1;
	_ =	strace $0x80000046;
	[dreg:$0x1] =	wrdreg $0xFFFFFFFF  }
0xa8: {  	s28 =	simm.s32 $_size_execute0_lowered;
	s4 =	sadd.s32 s4, s6;
	[dreg:$0x0] =	wrdreg $0x0  }
0xa9: {  	s6 =	sshll.u32 s28, $0x1;
	[dreg:$0x2] =	wrdreg s4  }
0xaa: {  	[dreg:$0x3] =	wrdreg s6  }
0xab: {  	[dreg:$0x4] =	wrdreg $0xC0  }
0xac: {  	_ =	task [dreg:s8], $0x5FFFF  }
0xad: {  	[dreg:$0x1] =	wrdreg $0xFFFFFFFF  }
0xae: {  	[dreg:$0x0] =	wrdreg $0x60  }
0xaf: {  	[dreg:$0x2] =	wrdreg s24  }
0xb0: {  	[dreg:$0x3] =	wrdreg s2  }
0xb1: {  	[dreg:$0x4] =	wrdreg s18  }
0xb2: {  	[dreg:$0x5] =	wrdreg $0x78000  }
0xb3: {  	[dreg:$0x6] =	wrdreg $0x90700  }
0xb4: {  	[dreg:$0x7] =	wrdreg $0x9  }
0xb5: {  	_ =	task.clear_ibuf [dreg:s8], $0x8FFFF;
	_ =	strace $0x90000046  }
0xb6: {  	s29 =	simm.s32 $0x9;
	_ =	strace $0x80000048  }
0xb7: {  	_ =	swait.ge [sflag:s29], $0x1  }
0xb8: {  	[sflag:s29] =	ssyncadd.s32 $0xFFFFFFFF  }
0xb9: {  	_ =	strace $0x90000048  }
0xba: {  	_ =	sfence  }
0xbb: {  	s30 =	sld [smem:$0x0];
	_ =	sdelay $0x2  }
0xbc: {  	s31 =	sshll.u32 s1, $0xD;
	s1 =	sshrl.u32 s1, $0x2  }
0xbd: {  	s3 =	sand.u32 $0x4000, s31;
	s1 =	sadd.s32 s1, s30  }
0xbe: {  	s0 =	sor.u32 s3, s0;
	s1 =	sshll.u32 s1, $0x11  }
0xbf: {  	s0 =	sor.u32 s1, s0  }
0xc0: {  	s0 =	sadd.s32 $0x8F2B, s0  }
0xc1: {  	[sflag:s0] =	ssyncadd.remote.s32 $0x1  }
0xc2: {  	_ =	sfence.sel $0xFFFF  }
0xc3: {  	[dreg:$0x0] =	wrdreg $0xFFFFFFFF;
	(pc) =	sbr.abs _section_cstart, $3  }
0xc4: {  	[dreg:$0x1] =	wrdreg $0xFFFFFFFF  }
0xc5: {  	_ =	task.clear_ibuf [dreg:s8], $0x2FFFF;
	_ =	strace $0x9FFFFFFF  }
0xc6: {  	(tm) =	ssettm $0x7FFFFFFF  }
0xc7: {  	_ =	shalt  }
tec
execute0_lowered:
.L_overlay_start_1:
0x0: {  	(tag) =	ssettag $0x1  }
0x1: {  	s0 =	rddreg [dreg:$0x0]  }
0x2: {  	s5 =	rddreg [dreg:$0x1]  }
0x3: {  	s6 =	rddreg [dreg:$0x2]  }
0x4: {  	s1 =	rddreg [dreg:$0x3]  }
0x5: {  	s2 =	rddreg [dreg:$0x4];
	s3 =	simm.s32 $0x0  }
0x6: {  	s7 =	srdreg.scid;
	s8 =	stileid.u32;
	s28 =	simm.s32 $0xED8  }
0x7: {  	s29 =	simm.s32 $0x54B0;
	s30 =	simm.s32 $0x4;
	s31 =	simm.s32 $0x3  }
0x8: {  	[smem:$0x7FF] =	sst s3;
	s4 =	sadd.s32 $0x600, s0;
	s11 =	smul.u32 $0x1870, s8  }
0x9: {  	s7 =	sand.u32 $0x1, s7;
	s10 =	sshll.u32 s8, $0x1;
	s21 =	smul.u32 $0x61A80, s8  }
0xa: {  	p0 =	sne.s32 s8, $0x0;
	s8 =	simm.s32 $0x6400;
	_ =	strace $0x80000047  }
0xb: {  	s9 =	sshll.u32 s7, $0x4;
	s26 =	ssub.s32 $0x2, s7;
	s10 =	sor.u32 s7, s10  }
0xc: {  	s7 =	smul.u32 $0x30D40, s7;
	s0 =	sadd.s32 s9, s0;
	s12 =	sshrl.u32 s26, $0x1  }
0xd: {  	s13 =	sshrl.u32 s11, $0x3;
	s10 =	smul.u32 $0x30D40, s10;
	s14 =	sadd.s32 s11, s1  }
0xe: {  	s11 =	sadd.s32 s11, s2;
	s9 =	ssub.s32 s26, s12;
	[dreg:$0x6] =	wrdreg s14  }
0xf: {  	s15 =	sadd.s32 s4, s13;
	[dreg:$0x8] =	wrdreg s11;
	s0 =	sadd.s32 $0x3800, s0  }
0x10: {  	s7 =	sadd.s32 s7, s21;
	[dreg:$0x7] =	wrdreg s15;
	s16 =	sshrl.u32 s10, $0x3  }
0x11: {  	s17 =	sadd.s32 $0x1388, s10;
	[dreg:$0xf] =	wrdreg s0;
	s23 =	sadd.s32 $0x2F9B8, s10  }
0x12: {  	s9 =	smax.u32 s9, $0x1;
	s25 =	sadd.s32 $0x4E20, s7;
	s7 =	sadd.s32 $0x3A98, s7  }
0x13: {  	s10 =	simm.s32 $0x68B0;
	s15 =	simm.s32 $0x0;
	s18 =	sadd.s32 s5, s16  }
0x14: {  	s19 =	sadd.s32 s6, s16;
	s12 =	sshrl.u32 s17, $0x3;
	s11 =	sadd.s32 $0x4E2, s16  }
0x15: {  	[dreg:$0x10] =	wrdreg s9;
	s0 =	sshrl.u32 s23, $0x3;
	s26 =	sshrl.u32 s25, $0x3  }
0x16: {  	s7 =	sshrl.u32 s7, $0x3;
	s25 =	simm.s32 $0x1;
	[dreg:$0x9] =	wrdreg s18  }
0x17: {  	s9 =	simm.s32 $0x18B0;
	[dreg:$0xa] =	wrdreg s19;
	s20 =	sadd.s32 s5, s12  }
0x18: {  	s12 =	sadd.s32 s6, s12;
	s22 =	sadd.s32 s5, s11;
	[dreg:$0xb] =	wrdreg s20  }
0x19: {  	s11 =	sadd.s32 s6, s11;
	s24 =	sadd.s32 s5, s0;
	[dreg:$0xc] =	wrdreg s12  }
0x1a: {  	s0 =	sadd.s32 s6, s0;
	s18 =	sadd.s32 s26, s6;
	[dreg:$0xd] =	wrdreg s22  }
0x1b: {  	s19 =	sadd.s32 s26, s5;
	s21 =	sadd.s32 s7, s5;
	[dreg:$0xe] =	wrdreg s11  }
0x1c: {  	s26 =	simm.s32 $0x4B0;
	s5 =	simm.s32 $0x1400;
	[dreg:$0x11] =	wrdreg s24  }
0x1d: {  	[dreg:$0x12] =	wrdreg s0;
	s20 =	sadd.s32 s7, s6;
	s22 =	simm.s32 $0x5000  }
0x1e: {  	s24 =	simm.s32 $0x2800;
	s0 =	simm.s32 $0x1388;
	s6 =	simm.s32 $0x3C00  }
0x1f: {  	v0 =	vimm.f32 $0.0e+00;
	s7 =	simm.s32 $0x2;
	s11 =	simm.s32 $0x5;
	s12 =	simm.s32 $0x6  }
.LBB2_1:
0x20: {  	[dreg:$0x13] =	wrdreg s15;
	s14 =	simm.s32 $0x40;
	s15 =	simm.s32 $0x0  }
.LBB2_2:
0x21: {  	p1 =	sne.s32 s14, $0x6180;
	[tilespmem:s15+$0x5000] =	vst v0;
	s15 =	smov.u32 s14;
	s14 =	sadd.s32 $0x40, s14  }
.Ltmp0:
0x22: {  	(pc) =	sbr.rel @p1 .LBB2_2-.Ltmp0, $2  }
0x23: {  	_ =	sdelay $0x2  }
0x24: {  	s15 =	sshra.s32 s15, $0x2  }
0x25: {  	[tilespmem:s15+$0x5000] =	vst v0;
	s14 =	rddreg [dreg:$0x6];
	s13 =	simm.s32 $0x7  }
0x26: {  	[spmem:s14] =	stream.linear.scatter [tilespmem:s22], [sflag:$0x7], $0x1870, $0x38;
	[tilespmem:$0xA8E0] =	vst v63  }
0x27: {  	_ =	swait.ge [sflag:s13], $0x1870  }
0x28: {  	[sflag:s13] =	ssyncset.done $0x0  }
0x29: {  	s14 =	simm.s32 $0x0;
	s16 =	rddreg [dreg:$0x7];
	[sflag:s13] =	ssyncadd.s32 $0xFFFFE790  }
0x2a: {  	[tilespmem:s22], [sflag:$0x7] =	stream.linear.gather [hbm4b:s16+s14], $0x1870, $0x38;
	[tilespmem:$0xA8E0] =	vst v63  }
0x2b: {  	_ =	swait.ge [sflag:s13], $0x1870  }
0x2c: {  	[sflag:s13] =	ssyncset.done $0x0  }
0x2d: {  	s17 =	rddreg [dreg:$0x8];
	[sflag:s13] =	ssyncadd.s32 $0xFFFFE790  }
0x2e: {  	[spmem:s17] =	stream.linear.scatter [tilespmem:s22], [sflag:$0x7], $0x1870, $0x38;
	[tilespmem:$0xA8E0] =	vst v63  }
0x2f: {  	_ =	swait.ge [sflag:s13], $0x1870  }
0x30: {  	[sflag:s13] =	ssyncset.done $0x0  }
0x31: {  	[sflag:s13] =	ssyncadd.s32 $0xFFFFE790  }
0x32: {  	[bflag:$0x0] =	sbarrier.arrive $0xFFFF  }
0x33: {  	s23 =	rddreg [dreg:$0x9]  }
0x34: {  	[tilespmem:s14], [sflag:$0x1] =	stream.linear.gather [hbm4b:s23+s14], $0x1388, $0x38;
	[tilespmem:$0xA8E0] =	vst v63  }
0x35: {  	s13 =	rddreg [dreg:$0xa]  }
0x36: {  	[tilespmem:s24], [sflag:$0x1] =	stream.linear.gather [hbm4b:s13+s14], $0x1388, $0x38;
	[tilespmem:$0xA8E0] =	vst v63  }
0x37: {  	_ =	swait.ge [sflag:s25], $0x1388  }
0x38: {  	[sflag:s25] =	ssyncset.done $0x0  }
0x39: {  	[sflag:s25] =	ssyncadd.s32 $0xFFFFEC78  }
0x3a: {  	_ =	swait.ge [sflag:s25], $0x1388  }
0x3b: {  	[sflag:s25] =	ssyncset.done $0x0  }
0x3c: {  	[sflag:s25] =	ssyncadd.s32 $0xFFFFEC78  }
0x3d: {  	[tilespmem:s22], [sflag:$0x4] =	stream.indirect.gather [hbm4b:s4+s26], $0x1, s14, s26, $0xb8;
	[tilespmem:$0xA8E0] =	vst v63  }
0x3e: {  	_ = 	snop  }
0x3f: {  	[tilespmem:s29], [sflag:$0x3] =	stream.indirect.gather [spmem:s2], $0x1, s26, s28, $0xb8;
	[tilespmem:$0xA8E0] =	vst v63  }
0x40: {  	_ =	swait.ge [sflag:s30], $0x4B0  }
0x41: {  	[sflag:s30] =	ssyncset.done $0x0  }
0x42: {  	[sflag:s30] =	ssyncadd.s32 $0xFFFFFB50  }
0x43: {  	_ =	swait.ge [sflag:s31], $0xED8  }
0x44: {  	[sflag:s31] =	ssyncset.done $0x0  }
0x45: {  	[sflag:s31] =	ssyncadd.s32 $0xFFFFF128  }
0x46: {  	[spmem:s1] =	stream.indirect.scatter.add.f32 [tilespmem:s22], [sflag:$0x5], $0x1, s24, s0, $0xb8;
	[tilespmem:$0xA8E0] =	vst v63  }
0x47: {  	s16 =	rddreg [dreg:$0xb]  }
0x48: {  	[tilespmem:s5], [sflag:$0x2] =	stream.linear.gather [hbm4b:s16+s14], $0x1388, $0x38;
	[tilespmem:$0xA8E0] =	vst v63  }
0x49: {  	s17 =	rddreg [dreg:$0xc]  }
0x4a: {  	[tilespmem:s6], [sflag:$0x2] =	stream.linear.gather [hbm4b:s17+s14], $0x1388, $0x38;
	[tilespmem:$0xA8E0] =	vst v63  }
0x4b: {  	_ =	swait.ge [sflag:s7], $0x1388  }
0x4c: {  	[sflag:s7] =	ssyncset.done $0x0  }
0x4d: {  	[sflag:s7] =	ssyncadd.s32 $0xFFFFEC78  }
0x4e: {  	_ =	swait.ge [sflag:s7], $0x1388  }
0x4f: {  	[sflag:s7] =	ssyncset.done $0x0  }
0x50: {  	[sflag:s7] =	ssyncadd.s32 $0xFFFFEC78  }
0x51: {  	[tilespmem:s8], [sflag:$0x4] =	stream.indirect.gather [hbm4b:s4+s26], $0x1, s5, s26, $0xb8;
	[tilespmem:$0xA8E0] =	vst v63  }
0x52: {  	_ = 	snop  }
0x53: {  	[tilespmem:s10], [sflag:$0x3] =	stream.indirect.gather [spmem:s2], $0x1, s9, s28, $0xb8;
	[tilespmem:$0xA8E0] =	vst v63  }
0x54: {  	_ =	swait.ge [sflag:s30], $0x4B0  }
0x55: {  	[sflag:s30] =	ssyncset.done $0x0  }
0x56: {  	[sflag:s30] =	ssyncadd.s32 $0xFFFFFB50  }
0x57: {  	_ =	swait.ge [sflag:s31], $0xED8  }
0x58: {  	[sflag:s31] =	ssyncset.done $0x0  }
0x59: {  	[sflag:s31] =	ssyncadd.s32 $0xFFFFF128  }
0x5a: {  	_ =	swait.ge [sflag:s11], $0x1388  }
0x5b: {  	[sflag:s11] =	ssyncset.done $0x0  }
0x5c: {  	[sflag:s11] =	ssyncadd.s32 $0xFFFFEC78  }
0x5d: {  	[spmem:s1] =	stream.indirect.scatter.add.f32 [tilespmem:s8], [sflag:$0x6], $0x1, s6, s0, $0xb8;
	[tilespmem:$0xA8E0] =	vst v63  }
0x5e: {  	s23 =	rddreg [dreg:$0xd]  }
0x5f: {  	[tilespmem:s14], [sflag:$0x1] =	stream.linear.gather [hbm4b:s23+s14], $0x1388, $0x38;
	[tilespmem:$0xA8E0] =	vst v63  }
0x60: {  	s13 =	rddreg [dreg:$0xe]  }
0x61: {  	[tilespmem:s24], [sflag:$0x1] =	stream.linear.gather [hbm4b:s13+s14], $0x1388, $0x38;
	[tilespmem:$0xA8E0] =	vst v63  }
0x62: {  	_ =	swait.ge [sflag:s25], $0x1388  }
0x63: {  	[sflag:s25] =	ssyncset.done $0x0  }
0x64: {  	[sflag:s25] =	ssyncadd.s32 $0xFFFFEC78  }
0x65: {  	_ =	swait.ge [sflag:s25], $0x1388  }
0x66: {  	[sflag:s25] =	ssyncset.done $0x0  }
0x67: {  	[sflag:s25] =	ssyncadd.s32 $0xFFFFEC78  }
0x68: {  	[tilespmem:s22], [sflag:$0x4] =	stream.indirect.gather [hbm4b:s4+s26], $0x1, s3, s26, $0xb8;
	[tilespmem:$0xA8E0] =	vst v63  }
0x69: {  	_ = 	snop  }
0x6a: {  	[tilespmem:s29], [sflag:$0x3] =	stream.indirect.gather [spmem:s2], $0x1, s26, s28, $0xb8;
	[tilespmem:$0xA8E0] =	vst v63  }
0x6b: {  	_ =	swait.ge [sflag:s30], $0x4B0  }
0x6c: {  	[sflag:s30] =	ssyncset.done $0x0  }
0x6d: {  	[sflag:s30] =	ssyncadd.s32 $0xFFFFFB50  }
0x6e: {  	_ =	swait.ge [sflag:s31], $0xED8  }
0x6f: {  	[sflag:s31] =	ssyncset.done $0x0  }
0x70: {  	[sflag:s31] =	ssyncadd.s32 $0xFFFFF128  }
0x71: {  	_ =	swait.ge [sflag:s12], $0x1388  }
0x72: {  	[sflag:s12] =	ssyncset.done $0x0  }
0x73: {  	[sflag:s12] =	ssyncadd.s32 $0xFFFFEC78  }
0x74: {  	[spmem:s1] =	stream.indirect.scatter.add.f32 [tilespmem:s22], [sflag:$0x5], $0x1, s24, s0, $0xb8;
	[tilespmem:$0xA8E0] =	vst v63  }
0x75: {  	s16 =	sadd.s32 $0x0, s21  }
0x76: {  	[tilespmem:s5], [sflag:$0x2] =	stream.linear.gather [hbm4b:s16+s3], $0x1388, $0x38;
	[tilespmem:$0xA8E0] =	vst v63  }
0x77: {  	s17 =	sadd.s32 $0x0, s20  }
0x78: {  	[tilespmem:s6], [sflag:$0x2] =	stream.linear.gather [hbm4b:s17+s3], $0x1388, $0x38;
	[tilespmem:$0xA8E0] =	vst v63  }
0x79: {  	_ =	swait.ge [sflag:s7], $0x1388  }
0x7a: {  	[sflag:s7] =	ssyncset.done $0x0  }
0x7b: {  	[sflag:s7] =	ssyncadd.s32 $0xFFFFEC78  }
0x7c: {  	_ =	swait.ge [sflag:s7], $0x1388  }
0x7d: {  	[sflag:s7] =	ssyncset.done $0x0  }
0x7e: {  	[sflag:s7] =	ssyncadd.s32 $0xFFFFEC78  }
0x7f: {  	[tilespmem:s8], [sflag:$0x4] =	stream.indirect.gather [hbm4b:s4+s26], $0x1, s5, s26, $0xb8;
	[tilespmem:$0xA8E0] =	vst v63  }
0x80: {  	_ = 	snop  }
0x81: {  	[tilespmem:s10], [sflag:$0x3] =	stream.indirect.gather [spmem:s2], $0x1, s9, s28, $0xb8;
	[tilespmem:$0xA8E0] =	vst v63  }
0x82: {  	_ =	swait.ge [sflag:s30], $0x4B0  }
0x83: {  	[sflag:s30] =	ssyncset.done $0x0  }
0x84: {  	[sflag:s30] =	ssyncadd.s32 $0xFFFFFB50  }
0x85: {  	_ =	swait.ge [sflag:s31], $0xED8  }
0x86: {  	[sflag:s31] =	ssyncset.done $0x0  }
0x87: {  	[sflag:s31] =	ssyncadd.s32 $0xFFFFF128  }
0x88: {  	_ =	swait.ge [sflag:s11], $0x1388  }
0x89: {  	[sflag:s11] =	ssyncset.done $0x0  }
0x8a: {  	[sflag:s11] =	ssyncadd.s32 $0xFFFFEC78  }
0x8b: {  	[spmem:s1] =	stream.indirect.scatter.add.f32 [tilespmem:s8], [sflag:$0x6], $0x1, s6, s0, $0xb8;
	[tilespmem:$0xA8E0] =	vst v63  }
0x8c: {  	s15 =	sadd.s32 $0x0, s18;
	s23 =	sadd.s32 $0x0, s19;
	s14 =	simm.s32 $0x4E2  }
0x8d: {  	[tilespmem:s3], [sflag:$0x1] =	stream.linear.gather [hbm4b:s23+s3], $0x1388, $0x38;
	[tilespmem:$0xA8E0] =	vst v63  }
.LBB2_4:
0x8e: {  	[tilespmem:s24], [sflag:$0x1] =	stream.linear.gather [hbm4b:s15+s3], $0x1388, $0x38;
	[tilespmem:$0xA8E0] =	vst v63  }
0x8f: {  	s15 =	smov.u32 s14  }
0x90: {  	p1 =	sne.s32 s14, $0x5302;
	s14 =	sadd.s32 $0x4E2, s14;
	_ =	swait.ge [sflag:s25], $0x1388  }
0x91: {  	[sflag:s25] =	ssyncset.done $0x0  }
0x92: {  	[sflag:s25] =	ssyncadd.s32 $0xFFFFEC78  }
0x93: {  	_ =	swait.ge [sflag:s25], $0x1388  }
0x94: {  	[sflag:s25] =	ssyncset.done $0x0  }
0x95: {  	[sflag:s25] =	ssyncadd.s32 $0xFFFFEC78  }
0x96: {  	[tilespmem:s22], [sflag:$0x4] =	stream.indirect.gather [hbm4b:s4+s26], $0x1, s3, s26, $0xb8;
	[tilespmem:$0xA8E0] =	vst v63  }
0x97: {  	_ = 	snop  }
0x98: {  	[tilespmem:s29], [sflag:$0x3] =	stream.indirect.gather [spmem:s2], $0x1, s26, s28, $0xb8;
	[tilespmem:$0xA8E0] =	vst v63  }
0x99: {  	_ =	swait.ge [sflag:s30], $0x4B0  }
0x9a: {  	[sflag:s30] =	ssyncset.done $0x0  }
0x9b: {  	[sflag:s30] =	ssyncadd.s32 $0xFFFFFB50  }
0x9c: {  	_ =	swait.ge [sflag:s31], $0xED8  }
0x9d: {  	[sflag:s31] =	ssyncset.done $0x0  }
0x9e: {  	[sflag:s31] =	ssyncadd.s32 $0xFFFFF128  }
0x9f: {  	_ =	swait.ge [sflag:s12], $0x1388  }
0xa0: {  	[sflag:s12] =	ssyncset.done $0x0  }
0xa1: {  	[sflag:s12] =	ssyncadd.s32 $0xFFFFEC78  }
0xa2: {  	[spmem:s1] =	stream.indirect.scatter.add.f32 [tilespmem:s22], [sflag:$0x5], $0x1, s24, s0, $0xb8;
	[tilespmem:$0xA8E0] =	vst v63  }
0xa3: {  	s16 =	sadd.s32 s15, s21  }
0xa4: {  	[tilespmem:s5], [sflag:$0x2] =	stream.linear.gather [hbm4b:s16+s3], $0x1388, $0x38;
	[tilespmem:$0xA8E0] =	vst v63  }
0xa5: {  	s16 =	sadd.s32 s15, s20  }
0xa6: {  	[tilespmem:s6], [sflag:$0x2] =	stream.linear.gather [hbm4b:s16+s3], $0x1388, $0x38;
	[tilespmem:$0xA8E0] =	vst v63  }
0xa7: {  	_ =	swait.ge [sflag:s7], $0x1388  }
0xa8: {  	[sflag:s7] =	ssyncset.done $0x0  }
0xa9: {  	[sflag:s7] =	ssyncadd.s32 $0xFFFFEC78  }
0xaa: {  	_ =	swait.ge [sflag:s7], $0x1388  }
0xab: {  	[sflag:s7] =	ssyncset.done $0x0  }
0xac: {  	[sflag:s7] =	ssyncadd.s32 $0xFFFFEC78  }
0xad: {  	[tilespmem:s8], [sflag:$0x4] =	stream.indirect.gather [hbm4b:s4+s26], $0x1, s5, s26, $0xb8;
	[tilespmem:$0xA8E0] =	vst v63  }
0xae: {  	_ = 	snop  }
0xaf: {  	[tilespmem:s10], [sflag:$0x3] =	stream.indirect.gather [spmem:s2], $0x1, s9, s28, $0xb8;
	[tilespmem:$0xA8E0] =	vst v63  }
0xb0: {  	_ =	swait.ge [sflag:s30], $0x4B0  }
0xb1: {  	[sflag:s30] =	ssyncset.done $0x0  }
0xb2: {  	[sflag:s30] =	ssyncadd.s32 $0xFFFFFB50  }
0xb3: {  	_ =	swait.ge [sflag:s31], $0xED8  }
0xb4: {  	[sflag:s31] =	ssyncset.done $0x0  }
0xb5: {  	[sflag:s31] =	ssyncadd.s32 $0xFFFFF128  }
0xb6: {  	_ =	swait.ge [sflag:s11], $0x1388  }
0xb7: {  	[sflag:s11] =	ssyncset.done $0x0  }
.Ltmp1:
0xb8: {  	[sflag:s11] =	ssyncadd.s32 $0xFFFFEC78;
	(pc) =	sbr.rel @p1 .LBB2_4-.Ltmp1, $4  }
0xb9: {  	[spmem:s1] =	stream.indirect.scatter.add.f32 [tilespmem:s8], [sflag:$0x6], $0x1, s6, s0, $0xb8;
	[tilespmem:$0xA8E0] =	vst v63  }
0xba: {  	s16 =	sadd.s32 s15, s19  }
0xbb: {  	[tilespmem:s3], [sflag:$0x1] =	stream.linear.gather [hbm4b:s16+s3], $0x1388, $0x38;
	[tilespmem:$0xA8E0] =	vst v63  }
0xbc: {  	s15 =	sadd.s32 s15, s18  }
0xbd: {  	[tilespmem:s24], [sflag:$0x1] =	stream.linear.gather [hbm4b:s15+s3], $0x1388, $0x38;
	[tilespmem:$0xA8E0] =	vst v63  }
0xbe: {  	_ =	swait.ge [sflag:s25], $0x1388  }
0xbf: {  	[sflag:s25] =	ssyncset.done $0x0  }
0xc0: {  	[sflag:s25] =	ssyncadd.s32 $0xFFFFEC78  }
0xc1: {  	_ =	swait.ge [sflag:s25], $0x1388  }
0xc2: {  	[sflag:s25] =	ssyncset.done $0x0  }
0xc3: {  	[sflag:s25] =	ssyncadd.s32 $0xFFFFEC78  }
0xc4: {  	[tilespmem:s22], [sflag:$0x4] =	stream.indirect.gather [hbm4b:s4+s26], $0x1, s3, s26, $0xb8;
	[tilespmem:$0xA8E0] =	vst v63  }
0xc5: {  	_ = 	snop  }
0xc6: {  	[tilespmem:s29], [sflag:$0x3] =	stream.indirect.gather [spmem:s2], $0x1, s26, s28, $0xb8;
	[tilespmem:$0xA8E0] =	vst v63  }
0xc7: {  	_ =	swait.ge [sflag:s30], $0x4B0  }
0xc8: {  	[sflag:s30] =	ssyncset.done $0x0  }
0xc9: {  	[sflag:s30] =	ssyncadd.s32 $0xFFFFFB50  }
0xca: {  	_ =	swait.ge [sflag:s31], $0xED8  }
0xcb: {  	[sflag:s31] =	ssyncset.done $0x0  }
0xcc: {  	[sflag:s31] =	ssyncadd.s32 $0xFFFFF128  }
0xcd: {  	_ =	swait.ge [sflag:s12], $0x1388  }
0xce: {  	[sflag:s12] =	ssyncset.done $0x0  }
0xcf: {  	[sflag:s12] =	ssyncadd.s32 $0xFFFFEC78  }
0xd0: {  	[spmem:s1] =	stream.indirect.scatter.add.f32 [tilespmem:s22], [sflag:$0x5], $0x1, s24, s0, $0xb8;
	[tilespmem:$0xA8E0] =	vst v63  }
0xd1: {  	s13 =	rddreg [dreg:$0x11]  }
0xd2: {  	[tilespmem:s5], [sflag:$0x2] =	stream.linear.gather [hbm4b:s13+s3], $0x1388, $0x38;
	[tilespmem:$0xA8E0] =	vst v63  }
0xd3: {  	s16 =	rddreg [dreg:$0x12]  }
0xd4: {  	[tilespmem:s6], [sflag:$0x2] =	stream.linear.gather [hbm4b:s16+s3], $0x1388, $0x38;
	[tilespmem:$0xA8E0] =	vst v63  }
0xd5: {  	_ =	swait.ge [sflag:s7], $0x1388  }
0xd6: {  	[sflag:s7] =	ssyncset.done $0x0  }
0xd7: {  	[sflag:s7] =	ssyncadd.s32 $0xFFFFEC78  }
0xd8: {  	_ =	swait.ge [sflag:s7], $0x1388  }
0xd9: {  	[sflag:s7] =	ssyncset.done $0x0  }
0xda: {  	[sflag:s7] =	ssyncadd.s32 $0xFFFFEC78  }
0xdb: {  	[tilespmem:s8], [sflag:$0x4] =	stream.indirect.gather [hbm4b:s4+s26], $0x1, s5, s26, $0xb8;
	[tilespmem:$0xA8E0] =	vst v63  }
0xdc: {  	_ = 	snop  }
0xdd: {  	[tilespmem:s10], [sflag:$0x3] =	stream.indirect.gather [spmem:s2], $0x1, s9, s28, $0xb8;
	[tilespmem:$0xA8E0] =	vst v63  }
0xde: {  	_ =	swait.ge [sflag:s30], $0x4B0  }
0xdf: {  	[sflag:s30] =	ssyncset.done $0x0  }
0xe0: {  	[sflag:s30] =	ssyncadd.s32 $0xFFFFFB50  }
0xe1: {  	_ =	swait.ge [sflag:s31], $0xED8  }
0xe2: {  	[sflag:s31] =	ssyncset.done $0x0  }
0xe3: {  	[sflag:s31] =	ssyncadd.s32 $0xFFFFF128  }
0xe4: {  	_ =	swait.ge [sflag:s11], $0x1388  }
0xe5: {  	[sflag:s11] =	ssyncset.done $0x0  }
0xe6: {  	[sflag:s11] =	ssyncadd.s32 $0xFFFFEC78  }
0xe7: {  	[spmem:s1] =	stream.indirect.scatter.add.f32 [tilespmem:s8], [sflag:$0x6], $0x1, s6, s0, $0xb8;
	[tilespmem:$0xA8E0] =	vst v63  }
0xe8: {  	_ =	swait.ge [sflag:s12], $0x1388  }
0xe9: {  	[sflag:s12] =	ssyncset.done $0x0  }
0xea: {  	s14 =	sshrl.u32 @!p0 s1, $0x3;
	[sflag:s12] =	ssyncadd.s32 $0xFFFFEC78  }
0xeb: {  	s15 =	simm.s32 @!p0 $0x1;
	s17 =	simm.s32 @!p0 $0x10;
	[bflag:$0x0] =	sbarrier.arrive $0xFFFF  }
0xec: {  	s23 =	simm.s32 @!p0 $0x1C07;
	s16 =	simm.s32 @!p0 $0x20;
	s13 =	rddreg [dreg:$0xf]  }
0xed: {  	[hbm:s13@s16], [sflag:s23] =	dma.strided @!p0 [spmem:s14@s17], $0x30E0, s15, $0x10   }
0xee: {  	s14 =	simm.s32 @!p0 $0x7  }
0xef: {  	_ =	swait.ge @!p0 [sflag:s14], $0x30E0  }
0xf0: {  	s17 =	rddreg [dreg:$0x13]  }
0xf1: {  	s23 =	rddreg [dreg:$0x10];
	s15 =	sadd.s32 $0x1, s17  }
0xf2: {  	p1 =	sne.s32 s15, s23  }
.Ltmp2:
0xf3: {  	_ = 	snop;
	(pc) =	sbr.rel @p1 .LBB2_1-.Ltmp2, $3  }
0xf4: {  	_ =	sdelay $0x1  }
0xf5: {  	[sflag:s14] =	ssyncset.done @!p0 $0x0  }
0xf6: {  	[sflag:s14] =	ssyncadd.s32 @!p0 $0xFFFFCF20  }
0xf7: {  	_ =	sfence.sel $0x180000  }
0xf8: {  	[bflag:$0x0] =	sbarrier.arrive $0xFFFF  }
0xf9: {  	_ =	strace $0x90000047  }
0xfa: {  	[bflag:$0x2] =	sbarrier.arrive $0xFFFF  }
0xfb: {  	s0 =	rddreg [dreg:$0x5]  }
0xfc: {  	s0 =	sadd.s32 @!p0 $0x100000, s0  }
0xfd: {  	[sflag:s0] =	ssyncadd.tile.s32 @!p0 $0x1;
	_ =	shalt  }
.Lfunc_end2:
_tile_overlayer_lowered:
.L_overlay_start_2:
0xfe: {  	(tag) =	ssettag $0x2  }
0xff: {  	s0 =	rddreg [dreg:$0x0];
	s2 =	stileid.u32  }
0x100: {  	s1 =	rddreg [dreg:$0x1];
	p0 =	sne.s32 s2, $0x0  }
0x101: {  	s3 =	rddreg [dreg:$0x2];
	[bflag:$0x3] =	sbarrier.arrive $0xFFFF;
	s2 =	simm.s32 @!p0 $0x1C07  }
0x102: {  	[timem:s3], [sflag:s2] =	dma.local @!p0 [hbm:s0], s1  }
0x103: {  	s0 =	simm.s32 @!p0 $0x7  }
0x104: {  	_ =	swait.ge @!p0 [sflag:s0], s1  }
0x105: {  	s1 =	ssub.s32 @!p0 $0x0, s1;
	[sflag:s0] =	ssyncset.done @!p0 $0x0  }
0x106: {  	[sflag:s0] =	ssyncadd.s32 @!p0 s1  }
0x107: {  	[bflag:$0x3] =	sbarrier.arrive $0xFFFF  }
0x108: {  	_ =	shalt  }

</sc_bundles>
